<compile_context>
chip_gen: v7x
topology: tpu7x:2x2x1
jax: 0.10.2.dev20260603
libtpu: 0.0.44.dev20260713+nightly
codegen_flags: <defaults>
</compile_context>

<pallas_src>
import functools

import jax
import jax.numpy as jnp
from jax import lax
from jax.experimental import pallas as pl
from jax.experimental.pallas import tpu as pltpu
from jax.experimental.pallas import tpu_sc as plsc

N_NODES = 10000
N_EDGES = 320000
FEA = 128
NC = 2
NS = 16
NW = NC * NS
EDGES_PER_TILE = N_EDGES // NW
CHUNK = 125
NCHUNK = EDGES_PER_TILE // CHUNK
PHASES = 2
PCHUNK = NCHUNK // PHASES
ZROW = 640
ZLAST = N_NODES - (NS - 1) * ZROW

_mesh = plsc.VectorSubcoreMesh(
    core_axis_name="c", subcore_axis_name="s", num_cores=NC, num_subcores=NS)


def _zero_slice(zeros_hbm, tab, s):
    @pl.when(s < NS - 1)
    def _():
        pltpu.sync_copy(zeros_hbm, tab.at[pl.ds(s * ZROW, ZROW)])

    @pl.when(s == NS - 1)
    def _():
        pltpu.sync_copy(zeros_hbm.at[pl.ds(0, ZLAST)],
                        tab.at[pl.ds((NS - 1) * ZROW, ZLAST)])


def _flush_slice(tab, out_hbm, c, s):
    @pl.when(s < NS - 1)
    def _():
        pltpu.sync_copy(tab.at[pl.ds(s * ZROW, ZROW)],
                        out_hbm.at[c, pl.ds(s * ZROW, ZROW)])

    @pl.when(s == NS - 1)
    def _():
        pltpu.sync_copy(tab.at[pl.ds((NS - 1) * ZROW, ZLAST)],
                        out_hbm.at[c, pl.ds((NS - 1) * ZROW, ZLAST)])


@functools.partial(
    pl.kernel,
    out_type=jax.ShapeDtypeStruct((2, N_NODES, FEA), jnp.float32),
    mesh=_mesh,
    scratch_types=[
        pltpu.VMEM((2 * NCHUNK, CHUNK), jnp.int32),
        pltpu.VMEM((CHUNK, FEA), jnp.float32),
        pltpu.VMEM_SHARED((N_NODES, FEA), jnp.float32),
        pltpu.SemaphoreType.DMA,
    ],
)
def _deg_kernel(edge_hbm, ones_hbm, zeros_hbm, out, idx_v, ones_v, tab, sem):
    c = lax.axis_index("c")
    s = lax.axis_index("s")
    pltpu.sync_copy(edge_hbm.at[c, 2 * s], idx_v.at[pl.ds(0, NCHUNK)])
    pltpu.sync_copy(edge_hbm.at[c, 2 * s + 1], idx_v.at[pl.ds(NCHUNK, NCHUNK)])
    pltpu.sync_copy(ones_hbm, ones_v)
    _zero_slice(zeros_hbm, tab, s)
    plsc.subcore_barrier()

    def body(j, carry):
        pltpu.async_copy(ones_v, tab.at[idx_v.at[j]], sem, add=True)
        return carry

    def drain(j, carry):
        pltpu.make_async_copy(ones_v, tab.at[idx_v.at[0]], sem).wait()
        return carry

    lax.fori_loop(0, 2 * NCHUNK, body, 0)
    lax.fori_loop(0, 2 * NCHUNK, drain, 0)
    plsc.subcore_barrier()
    _flush_slice(tab, out, c, s)


@functools.partial(
    pl.kernel,
    out_type=jax.ShapeDtypeStruct((NC, N_NODES, FEA), jnp.float32),
    mesh=_mesh,
    scratch_types=[
        pltpu.VMEM((PCHUNK, CHUNK), jnp.int32),
        pltpu.VMEM((PCHUNK, CHUNK), jnp.int32),
        pltpu.VMEM((CHUNK, FEA), jnp.float32),
        pltpu.VMEM((CHUNK, FEA), jnp.float32),
        pltpu.VMEM_SHARED((N_NODES, FEA), jnp.float32),
        pltpu.SemaphoreType.DMA,
        pltpu.SemaphoreType.DMA,
    ],
)
def _agg_kernel(ht_hbm, edge_hbm, zeros_hbm,
                out_hbm, src_v, dst_v, rows0, rows1, accum, sem0, sem1):
    c = lax.axis_index("c")
    s = lax.axis_index("s")
    wid = c * NS + s
    _zero_slice(zeros_hbm, accum, s)
    plsc.subcore_barrier()

    for p in range(PHASES):
        pltpu.sync_copy(edge_hbm.at[0, wid, pl.ds(p * PCHUNK, PCHUNK)], src_v)
        pltpu.sync_copy(edge_hbm.at[1, wid, pl.ds(p * PCHUNK, PCHUNK)], dst_v)
        pltpu.async_copy(ht_hbm.at[src_v.at[0]], rows0, sem0)

        def body(jj, carry):
            a = 2 * jj
            b = a + 1
            pltpu.async_copy(ht_hbm.at[src_v.at[b]], rows1, sem1)
            pltpu.make_async_copy(ht_hbm.at[src_v.at[a]], rows0, sem0).wait()
            pltpu.sync_copy(rows0, accum.at[dst_v.at[a]], add=True)

            @pl.when(jj < PCHUNK // 2 - 1)
            def _():
                pltpu.async_copy(ht_hbm.at[src_v.at[a + 2]], rows0, sem0)

            pltpu.make_async_copy(ht_hbm.at[src_v.at[b]], rows1, sem1).wait()
            pltpu.sync_copy(rows1, accum.at[dst_v.at[b]], add=True)
            return carry

        lax.fori_loop(0, PCHUNK // 2, body, 0)

    plsc.subcore_barrier()
    _flush_slice(accum, out_hbm, c, s)


_BLK = 1000


def _norm_from_tab(tab):
    deg = tab[0, :, 0]
    return jnp.where(deg > 0, lax.rsqrt(deg), 0.0)


def _mm_body(x_ref, w_ref, o_ref):
    o_ref[...] = jnp.dot(x_ref[...], w_ref[...],
                         preferred_element_type=jnp.float32)


def _mm(x, w):
    n, k = x.shape
    return pl.pallas_call(
        _mm_body,
        out_shape=jax.ShapeDtypeStruct((n, w.shape[1]), jnp.float32),
        in_specs=[
            pl.BlockSpec((_BLK, k), lambda i: (i, 0)),
            pl.BlockSpec((k, w.shape[1]), lambda i: (0, 0)),
        ],
        out_specs=pl.BlockSpec((_BLK, w.shape[1]), lambda i: (i, 0)),
        grid=(n // _BLK,),
    )(x, w)


def _scale_body(tab_s_ref, m_ref, o_ref):
    norm_out = _norm_from_tab(tab_s_ref[...])
    o_ref[...] = m_ref[...] * norm_out[:, None]


def _scale(tabs, m):
    n, k = m.shape
    return pl.pallas_call(
        _scale_body,
        out_shape=jax.ShapeDtypeStruct((n, k), jnp.float32),
        in_specs=[
            pl.BlockSpec((1, _BLK, FEA), lambda i: (0, i, 0)),
            pl.BlockSpec((_BLK, k), lambda i: (i, 0)),
        ],
        out_specs=pl.BlockSpec((_BLK, k), lambda i: (i, 0)),
        grid=(n // _BLK,),
    )(tabs, m)


def _tc2_body(tab_s_ref, tab_d_ref, part_ref, b_ref, w_ref, o_ref):
    norm_in = _norm_from_tab(tab_d_ref[...])
    norm_out = _norm_from_tab(tab_s_ref[...])
    p = part_ref[...]
    h = jax.nn.relu((p[0] + p[1]) * norm_in[:, None] + b_ref[...])
    o_ref[...] = jnp.dot(h, w_ref[...],
                         preferred_element_type=jnp.float32) * norm_out[:, None]


def _tc2(tabs, part, b, w):
    n = part.shape[1]
    return pl.pallas_call(
        _tc2_body,
        out_shape=jax.ShapeDtypeStruct((n, w.shape[1]), jnp.float32),
        in_specs=[
            pl.BlockSpec((1, _BLK, FEA), lambda i: (0, i, 0)),
            pl.BlockSpec((1, _BLK, FEA), lambda i: (1, i, 0)),
            pl.BlockSpec((NC, _BLK, FEA), lambda i: (0, i, 0)),
            pl.BlockSpec((FEA,), lambda i: (0,)),
            pl.BlockSpec((FEA, w.shape[1]), lambda i: (0, 0)),
        ],
        out_specs=pl.BlockSpec((_BLK, w.shape[1]), lambda i: (i, 0)),
        grid=(n // _BLK,),
    )(tabs, tabs, part, b, w)


def _tc3_body(tab_d_ref, part_ref, b_ref, w_ref, bfc_ref, o_ref):
    norm_in = _norm_from_tab(tab_d_ref[...])
    p = part_ref[...]
    h = jax.nn.relu((p[0] + p[1]) * norm_in[:, None] + b_ref[...])
    o_ref[...] = jnp.dot(h, w_ref[...],
                         preferred_element_type=jnp.float32) + bfc_ref[...]


def _tc3(tabs, part, b, w, bfc):
    n = part.shape[1]
    m = w.shape[1]
    return pl.pallas_call(
        _tc3_body,
        out_shape=jax.ShapeDtypeStruct((n, m), jnp.float32),
        in_specs=[
            pl.BlockSpec((1, _BLK, FEA), lambda i: (1, i, 0)),
            pl.BlockSpec((NC, _BLK, FEA), lambda i: (0, i, 0)),
            pl.BlockSpec((FEA,), lambda i: (0,)),
            pl.BlockSpec((FEA, m), lambda i: (0, 0)),
            pl.BlockSpec((m,), lambda i: (0,)),
        ],
        out_specs=pl.BlockSpec((_BLK, m), lambda i: (i, 0)),
        grid=(n // _BLK,),
    )(tabs, part, b, w, bfc)


def kernel(features, edge_index, W0, b0, W1, b1, Wfc, bfc):
    edges = edge_index.astype(jnp.int32).reshape(2, NW, NCHUNK, CHUNK)
    ones128 = jnp.ones((CHUNK, FEA), jnp.float32)
    zeros128 = jnp.zeros((ZROW, FEA), jnp.float32)

    mm0 = _mm(features, W0)
    tabs = _deg_kernel(edges, ones128, zeros128)

    ht0 = _scale(tabs, mm0)
    part0 = _agg_kernel(ht0, edges, zeros128)
    ht1 = _tc2(tabs, part0, b0, W1)
    part1 = _agg_kernel(ht1, edges, zeros128)
    return _tc3(tabs, part1, b1, Wfc, bfc)

# --- scband reference (transcript-rebuilt; emitter-appended) ---
"""Pipeline reference for scband-gcn-8641474199575 (READ-ONLY COPY).

The authoritative reference and input builder live on the scoring server;
editing this copy changes nothing except your own understanding.
"""

import jax, jax.numpy as jnp
import numpy as np

N_NODES = 10000
N_EDGES = 320000
IN_FEA = 128
HIDDEN = 128
OUT_CLASS = 64


def setup_inputs(seed: int = 0) -> dict:
    key = jax.random.key(seed)
    k1, k2, k3, k4, k5 = jax.random.split(key, 5)
    features = jax.random.normal(k1, (N_NODES, IN_FEA), dtype=jnp.float32)
    edge_index = jax.random.randint(k2, (2, N_EDGES), 0, N_NODES, dtype=jnp.int64)
    # GraphConv layer 0: in_fea -> hidden
    W0 = jax.random.normal(k3, (IN_FEA, HIDDEN), dtype=jnp.float32) * (1.0 / np.sqrt(IN_FEA))
    b0 = jnp.zeros((HIDDEN,), dtype=jnp.float32)
    # GraphConv layer 1: hidden -> hidden
    W1 = jax.random.normal(k4, (HIDDEN, HIDDEN), dtype=jnp.float32) * (1.0 / np.sqrt(HIDDEN))
    b1 = jnp.zeros((HIDDEN,), dtype=jnp.float32)
    # Final FC layer: hidden -> out_class
    Wfc = jax.random.normal(k5, (HIDDEN, OUT_CLASS), dtype=jnp.float32) * (1.0 / np.sqrt(HIDDEN))
    bfc = jnp.zeros((OUT_CLASS,), dtype=jnp.float32)
    return {"features": features, "edge_index": edge_index,
            "W0": W0, "b0": b0, "W1": W1, "b1": b1, "Wfc": Wfc, "bfc": bfc}


def reference(features, edge_index, W0, b0, W1, b1, Wfc, bfc):
    # GCN forward (eval mode, dropout is identity):
    # n_layers=3 -> forward applies layers[0], layers[1] (GraphConv+relu), then FC.
    src = edge_index[0]
    dst = edge_index[1]
    N = features.shape[0]
    ones = jnp.ones((src.shape[0],), dtype=jnp.float32)
    deg_out = jax.ops.segment_sum(ones, src, num_segments=N)
    deg_in = jax.ops.segment_sum(ones, dst, num_segments=N)
    norm_out = jnp.where(deg_out > 0, deg_out ** -0.5, 0.0)
    norm_in = jnp.where(deg_in > 0, deg_in ** -0.5, 0.0)

    def gconv(h, W, b):
        h = h @ W
        h = h * norm_out[:, None]
        agg = jax.ops.segment_sum(h[src], dst, num_segments=N)
        agg = agg * norm_in[:, None]
        return jax.nn.relu(agg + b)

    h = gconv(features, W0, b0)
    h = gconv(h, W1, b1)
    out = h @ Wfc + bfc
    return out

if __name__ == "__main__":
    import jax
    _d = setup_inputs()
    print(jax.jit(kernel)(*tuple(_d.values())))

</pallas_src>

<mosaic_0001>
#map = affine_map<(d0, d1) -> (0, 0)>
#map1 = affine_map<(d0, d1) -> (0, 0, 0, 0)>
#map2 = affine_map<(d0, d1) -> (0, 0, 0)>
module attributes {stable_mosaic.version = 14 : i64} {
  func.func @_agg_kernel(%arg0: i32, %arg1: i32, %arg2: memref<10000x128xf32, #tpu.memory_space<hbm>>, %arg3: memref<2x32x80x125xi32, #tpu.memory_space<hbm>>, %arg4: memref<640x128xf32, #tpu.memory_space<hbm>>, %arg5: memref<2x10000x128xf32, #tpu.memory_space<hbm>>, %arg6: memref<40x125xi32, #tpu.memory_space<vmem>>, %arg7: memref<40x125xi32, #tpu.memory_space<vmem>>, %arg8: memref<125x128xf32, #tpu.memory_space<vmem>>, %arg9: memref<125x128xf32, #tpu.memory_space<vmem>>, %arg10: memref<10000x128xf32, #tpu.memory_space<vmem_shared>>, %arg11: memref<!tpu.dma_semaphore, #tpu.memory_space<semaphore_mem>>, %arg12: memref<!tpu.dma_semaphore, #tpu.memory_space<semaphore_mem>>) attributes {dimension_semantics = [#tpu.dimension_semantics<core_parallel>, #tpu.dimension_semantics<subcore_parallel>], iteration_bounds = array<i64: 2, 16>, scalar_prefetch = 0 : i64, scratch_operands = 7 : i64, tpu.core_type = #tpu.core_type<sc_vector_subcore>, window_params = [{transform_indices = #map}, {transform_indices = #map1}, {transform_indices = #map}, {transform_indices = #map2}]} {
    %mul3A = arith.constant 16 : i32
    %mul3A_0 = arith.muli %arg0, %mul3A : i32
    %add3A = arith.addi %mul3A_0, %arg1 : i32
    %lt3A = arith.constant 15 : i32
    %lt3A_1 = arith.cmpi slt, %arg1, %lt3A : i32
    %convert_element_type3A = arith.extui %lt3A_1 : i1 to i32
    %cond3A = arith.constant 0 : i32
    %cond3A_2 = arith.cmpi ne, %convert_element_type3A, %cond3A : i32
    scf.if %cond3A_2 {
      %mul3A_45 = arith.constant 640 : i32
      %mul3A_46 = arith.muli %arg1, %mul3A_45 : i32
      "tpu.region"() ({
        %run_scoped3A_47 = tpu.sem_alloc : memref<!tpu.dma_semaphore, #tpu.memory_space<semaphore_mem>>
        %dma_start3A_48 = arith.constant 0 : i32
        %dma_start3A_49 = tpu.memref_slice %arg10[%mul3A_46, %dma_start3A_48] : memref<10000x128xf32, #tpu.memory_space<vmem_shared>> -> memref<640x128xf32, #tpu.memory_space<vmem_shared>>
        tpu.enqueue_dma source(%arg4 : memref<640x128xf32, #tpu.memory_space<hbm>>) target(%dma_start3A_49 : memref<640x128xf32, #tpu.memory_space<vmem_shared>>) target_semaphore(%run_scoped3A_47 : memref<!tpu.dma_semaphore, #tpu.memory_space<semaphore_mem>>)
        %dma_wait3A = arith.constant 0 : i32
        %dma_wait3A_50 = tpu.memref_slice %arg10[%mul3A_46, %dma_wait3A] : memref<10000x128xf32, #tpu.memory_space<vmem_shared>> -> memref<640x128xf32, #tpu.memory_space<vmem_shared>>
        tpu.wait_dma2 semaphore(%run_scoped3A_47 : memref<!tpu.dma_semaphore, #tpu.memory_space<semaphore_mem>>) src(%arg4 : memref<640x128xf32, #tpu.memory_space<hbm>>) dst(%dma_wait3A_50 : memref<640x128xf32, #tpu.memory_space<vmem_shared>>)
        tpu.yield
      }) : () -> ()
    } else {
    }
    %eq3A = arith.constant 15 : i32
    %eq3A_3 = arith.cmpi eq, %arg1, %eq3A : i32
    %convert_element_type3A_4 = arith.extui %eq3A_3 : i1 to i32
    %cond3A_5 = arith.constant 0 : i32
    %cond3A_6 = arith.cmpi ne, %convert_element_type3A_4, %cond3A_5 : i32
    scf.if %cond3A_6 {
      "tpu.region"() ({
        %run_scoped3A_45 = tpu.sem_alloc : memref<!tpu.dma_semaphore, #tpu.memory_space<semaphore_mem>>
        %dma_start3A_46 = arith.constant 9600 : i32
        %dma_start3A_47 = arith.constant 0 : i32
        %dma_start3A_48 = tpu.memref_slice %arg10[%dma_start3A_46, %dma_start3A_47] : memref<10000x128xf32, #tpu.memory_space<vmem_shared>> -> memref<400x128xf32, #tpu.memory_space<vmem_shared>>
        %dma_start3A_49 = arith.constant 0 : i32
        %dma_start3A_50 = arith.constant 0 : i32
        %dma_start3A_51 = tpu.memref_slice %arg4[%dma_start3A_49, %dma_start3A_50] : memref<640x128xf32, #tpu.memory_space<hbm>> -> memref<400x128xf32, #tpu.memory_space<hbm>>
        tpu.enqueue_dma source(%dma_start3A_51 : memref<400x128xf32, #tpu.memory_space<hbm>>) target(%dma_start3A_48 : memref<400x128xf32, #tpu.memory_space<vmem_shared>>) target_semaphore(%run_scoped3A_45 : memref<!tpu.dma_semaphore, #tpu.memory_space<semaphore_mem>>)
        %dma_wait3A = arith.constant 9600 : i32
        %dma_wait3A_52 = arith.constant 0 : i32
        %dma_wait3A_53 = tpu.memref_slice %arg10[%dma_wait3A, %dma_wait3A_52] : memref<10000x128xf32, #tpu.memory_space<vmem_shared>> -> memref<400x128xf32, #tpu.memory_space<vmem_shared>>
        %dma_wait3A_54 = arith.constant 0 : i32
        %dma_wait3A_55 = arith.constant 0 : i32
        %dma_wait3A_56 = tpu.memref_slice %arg4[%dma_wait3A_54, %dma_wait3A_55] : memref<640x128xf32, #tpu.memory_space<hbm>> -> memref<400x128xf32, #tpu.memory_space<hbm>>
        tpu.wait_dma2 semaphore(%run_scoped3A_45 : memref<!tpu.dma_semaphore, #tpu.memory_space<semaphore_mem>>) src(%dma_wait3A_56 : memref<400x128xf32, #tpu.memory_space<hbm>>) dst(%dma_wait3A_53 : memref<400x128xf32, #tpu.memory_space<vmem_shared>>)
        tpu.yield
      }) : () -> ()
    } else {
    }
    %barrier3A = arith.constant 0 : index
    tpu.barrier barrier_id(%barrier3A)
    %run_scoped3A = arith.constant 0 : i32
    "tpu.region"() ({
      %run_scoped3A_45 = tpu.sem_alloc : memref<!tpu.dma_semaphore, #tpu.memory_space<semaphore_mem>>
      %dma_start3A_46 = arith.constant 0 : i32
      %dma_start3A_47 = arith.constant 0 : i32
      %dma_start3A_48 = tpu.memref_slice %arg3[%run_scoped3A, %add3A, %dma_start3A_46, %dma_start3A_47] : memref<2x32x80x125xi32, #tpu.memory_space<hbm>> -> memref<1x1x40x125xi32, #tpu.memory_space<hbm>>
      %dma_start3A_49 = tpu.memref_squeeze %dma_start3A_48 : memref<1x1x40x125xi32, #tpu.memory_space<hbm>> -> memref<40x125xi32, #tpu.memory_space<hbm>>
      %dma_start3A_50 = arith.constant 0 : i32
      %dma_start3A_51 = arith.constant 0 : i32
      %dma_start3A_52 = tpu.memref_slice %arg3[%run_scoped3A, %add3A, %dma_start3A_50, %dma_start3A_51] : memref<2x32x80x125xi32, #tpu.memory_space<hbm>> -> memref<1x1x40x125xi32, #tpu.memory_space<hbm>>
      %dma_start3A_53 = tpu.memref_squeeze %dma_start3A_52 : memref<1x1x40x125xi32, #tpu.memory_space<hbm>> -> memref<40x125xi32, #tpu.memory_space<hbm>>
      tpu.enqueue_dma source(%dma_start3A_53 : memref<40x125xi32, #tpu.memory_space<hbm>>) target(%arg6 : memref<40x125xi32, #tpu.memory_space<vmem>>) target_semaphore(%run_scoped3A_45 : memref<!tpu.dma_semaphore, #tpu.memory_space<semaphore_mem>>)
      %dma_wait3A = arith.constant 0 : i32
      %dma_wait3A_54 = arith.constant 0 : i32
      %dma_wait3A_55 = tpu.memref_slice %arg3[%run_scoped3A, %add3A, %dma_wait3A, %dma_wait3A_54] : memref<2x32x80x125xi32, #tpu.memory_space<hbm>> -> memref<1x1x40x125xi32, #tpu.memory_space<hbm>>
      %dma_wait3A_56 = tpu.memref_squeeze %dma_wait3A_55 : memref<1x1x40x125xi32, #tpu.memory_space<hbm>> -> memref<40x125xi32, #tpu.memory_space<hbm>>
      %dma_wait3A_57 = arith.constant 0 : i32
      %dma_wait3A_58 = arith.constant 0 : i32
      %dma_wait3A_59 = tpu.memref_slice %arg3[%run_scoped3A, %add3A, %dma_wait3A_57, %dma_wait3A_58] : memref<2x32x80x125xi32, #tpu.memory_space<hbm>> -> memref<1x1x40x125xi32, #tpu.memory_space<hbm>>
      %dma_wait3A_60 = tpu.memref_squeeze %dma_wait3A_59 : memref<1x1x40x125xi32, #tpu.memory_space<hbm>> -> memref<40x125xi32, #tpu.memory_space<hbm>>
      tpu.wait_dma2 semaphore(%run_scoped3A_45 : memref<!tpu.dma_semaphore, #tpu.memory_space<semaphore_mem>>) src(%dma_wait3A_60 : memref<40x125xi32, #tpu.memory_space<hbm>>) dst(%arg6 : memref<40x125xi32, #tpu.memory_space<vmem>>)
      tpu.yield
    }) : () -> ()
    %run_scoped3A_7 = arith.constant 1 : i32
    "tpu.region"() ({
      %run_scoped3A_45 = tpu.sem_alloc : memref<!tpu.dma_semaphore, #tpu.memory_space<semaphore_mem>>
      %dma_start3A_46 = arith.constant 0 : i32
      %dma_start3A_47 = arith.constant 0 : i32
      %dma_start3A_48 = tpu.memref_slice %arg3[%run_scoped3A_7, %add3A, %dma_start3A_46, %dma_start3A_47] : memref<2x32x80x125xi32, #tpu.memory_space<hbm>> -> memref<1x1x40x125xi32, #tpu.memory_space<hbm>>
      %dma_start3A_49 = tpu.memref_squeeze %dma_start3A_48 : memref<1x1x40x125xi32, #tpu.memory_space<hbm>> -> memref<40x125xi32, #tpu.memory_space<hbm>>
      %dma_start3A_50 = arith.constant 0 : i32
      %dma_start3A_51 = arith.constant 0 : i32
      %dma_start3A_52 = tpu.memref_slice %arg3[%run_scoped3A_7, %add3A, %dma_start3A_50, %dma_start3A_51] : memref<2x32x80x125xi32, #tpu.memory_space<hbm>> -> memref<1x1x40x125xi32, #tpu.memory_space<hbm>>
      %dma_start3A_53 = tpu.memref_squeeze %dma_start3A_52 : memref<1x1x40x125xi32, #tpu.memory_space<hbm>> -> memref<40x125xi32, #tpu.memory_space<hbm>>
      tpu.enqueue_dma source(%dma_start3A_53 : memref<40x125xi32, #tpu.memory_space<hbm>>) target(%arg7 : memref<40x125xi32, #tpu.memory_space<vmem>>) target_semaphore(%run_scoped3A_45 : memref<!tpu.dma_semaphore, #tpu.memory_space<semaphore_mem>>)
      %dma_wait3A = arith.constant 0 : i32
      %dma_wait3A_54 = arith.constant 0 : i32
      %dma_wait3A_55 = tpu.memref_slice %arg3[%run_scoped3A_7, %add3A, %dma_wait3A, %dma_wait3A_54] : memref<2x32x80x125xi32, #tpu.memory_space<hbm>> -> memref<1x1x40x125xi32, #tpu.memory_space<hbm>>
      %dma_wait3A_56 = tpu.memref_squeeze %dma_wait3A_55 : memref<1x1x40x125xi32, #tpu.memory_space<hbm>> -> memref<40x125xi32, #tpu.memory_space<hbm>>
      %dma_wait3A_57 = arith.constant 0 : i32
      %dma_wait3A_58 = arith.constant 0 : i32
      %dma_wait3A_59 = tpu.memref_slice %arg3[%run_scoped3A_7, %add3A, %dma_wait3A_57, %dma_wait3A_58] : memref<2x32x80x125xi32, #tpu.memory_space<hbm>> -> memref<1x1x40x125xi32, #tpu.memory_space<hbm>>
      %dma_wait3A_60 = tpu.memref_squeeze %dma_wait3A_59 : memref<1x1x40x125xi32, #tpu.memory_space<hbm>> -> memref<40x125xi32, #tpu.memory_space<hbm>>
      tpu.wait_dma2 semaphore(%run_scoped3A_45 : memref<!tpu.dma_semaphore, #tpu.memory_space<semaphore_mem>>) src(%dma_wait3A_60 : memref<40x125xi32, #tpu.memory_space<hbm>>) dst(%arg7 : memref<40x125xi32, #tpu.memory_space<vmem>>)
      tpu.yield
    }) : () -> ()
    %dma_start3A = arith.constant 0 : i32
    %dma_start3A_8 = arith.constant 0 : i32
    %dma_start3A_9 = tpu.memref_slice %arg6[%dma_start3A, %dma_start3A_8] : memref<40x125xi32, #tpu.memory_space<vmem>> -> memref<1x125xi32, #tpu.memory_space<vmem>>
    %dma_start3A_10 = tpu.memref_squeeze %dma_start3A_9 : memref<1x125xi32, #tpu.memory_space<vmem>> -> memref<125xi32, #tpu.memory_space<vmem>>
    %dma_start3A_11 = arith.constant 0 : i32
    %dma_start3A_12 = arith.constant 0 : i32
    %dma_start3A_13 = tpu.memref_slice %arg2[%dma_start3A_11, %dma_start3A_12] : memref<10000x128xf32, #tpu.memory_space<hbm>> -> memref<10000x128xf32, #tpu.memory_space<hbm>>
    tpu.enqueue_indirect_dma source(%dma_start3A_13 : memref<10000x128xf32, #tpu.memory_space<hbm>>) target(%arg8 : memref<125x128xf32, #tpu.memory_space<vmem>>) offsets(%dma_start3A_10 : memref<125xi32, #tpu.memory_space<vmem>>) semaphore(%arg11 : memref<!tpu.dma_semaphore, #tpu.memory_space<semaphore_mem>>)
    %scan3A = arith.constant 0 : i32
    %scan3A_14 = arith.constant 0 : i32
    %scan3A_15 = arith.constant 20 : i32
    %scan3A_16 = arith.addi %scan3A_14, %scan3A_15 : i32
    %scan3A_17 = arith.constant 1 : i32
    scf.for %scan3A_45 = %scan3A_14 to %scan3A_16 step %scan3A_17  : i32 {
      %mul3A_46 = arith.constant 2 : i32
      %mul3A_47 = arith.muli %mul3A_46, %scan3A_45 : i32
      %add3A_48 = arith.constant 1 : i32
      %add3A_49 = arith.addi %mul3A_47, %add3A_48 : i32
      %dma_start3A_50 = arith.constant 0 : i32
      %dma_start3A_51 = tpu.memref_slice %arg6[%add3A_49, %dma_start3A_50] : memref<40x125xi32, #tpu.memory_space<vmem>> -> memref<1x125xi32, #tpu.memory_space<vmem>>
      %dma_start3A_52 = tpu.memref_squeeze %dma_start3A_51 : memref<1x125xi32, #tpu.memory_space<vmem>> -> memref<125xi32, #tpu.memory_space<vmem>>
      %dma_start3A_53 = arith.constant 0 : i32
      %dma_start3A_54 = arith.constant 0 : i32
      %dma_start3A_55 = tpu.memref_slice %arg2[%dma_start3A_53, %dma_start3A_54] : memref<10000x128xf32, #tpu.memory_space<hbm>> -> memref<10000x128xf32, #tpu.memory_space<hbm>>
      tpu.enqueue_indirect_dma source(%dma_start3A_55 : memref<10000x128xf32, #tpu.memory_space<hbm>>) target(%arg9 : memref<125x128xf32, #tpu.memory_space<vmem>>) offsets(%dma_start3A_52 : memref<125xi32, #tpu.memory_space<vmem>>) semaphore(%arg12 : memref<!tpu.dma_semaphore, #tpu.memory_space<semaphore_mem>>)
      %dma_wait3A = arith.constant 0 : i32
      %dma_wait3A_56 = tpu.memref_slice %arg6[%mul3A_47, %dma_wait3A] : memref<40x125xi32, #tpu.memory_space<vmem>> -> memref<1x125xi32, #tpu.memory_space<vmem>>
      %dma_wait3A_57 = tpu.memref_squeeze %dma_wait3A_56 : memref<1x125xi32, #tpu.memory_space<vmem>> -> memref<125xi32, #tpu.memory_space<vmem>>
      %dma_wait3A_58 = arith.constant 0 : i32
      %dma_wait3A_59 = arith.constant 0 : i32
      %dma_wait3A_60 = tpu.memref_slice %arg2[%dma_wait3A_58, %dma_wait3A_59] : memref<10000x128xf32, #tpu.memory_space<hbm>> -> memref<10000x128xf32, #tpu.memory_space<hbm>>
      tpu.wait_indirect_dma semaphore(%arg11 : memref<!tpu.dma_semaphore, #tpu.memory_space<semaphore_mem>>) src(%dma_wait3A_60 : memref<10000x128xf32, #tpu.memory_space<hbm>>) dst(%arg8 : memref<125x128xf32, #tpu.memory_space<vmem>>)
      "tpu.region"() ({
        %run_scoped3A_72 = tpu.sem_alloc : memref<!tpu.dma_semaphore, #tpu.memory_space<semaphore_mem>>
        %dma_start3A_73 = arith.constant 0 : i32
        %dma_start3A_74 = tpu.memref_slice %arg7[%mul3A_47, %dma_start3A_73] : memref<40x125xi32, #tpu.memory_space<vmem>> -> memref<1x125xi32, #tpu.memory_space<vmem>>
        %dma_start3A_75 = tpu.memref_squeeze %dma_start3A_74 : memref<1x125xi32, #tpu.memory_space<vmem>> -> memref<125xi32, #tpu.memory_space<vmem>>
        %dma_start3A_76 = arith.constant 0 : i32
        %dma_start3A_77 = arith.constant 0 : i32
        %dma_start3A_78 = tpu.memref_slice %arg10[%dma_start3A_76, %dma_start3A_77] : memref<10000x128xf32, #tpu.memory_space<vmem_shared>> -> memref<10000x128xf32, #tpu.memory_space<vmem_shared>>
        tpu.enqueue_indirect_dma source(%arg8 : memref<125x128xf32, #tpu.memory_space<vmem>>) target(%dma_start3A_78 : memref<10000x128xf32, #tpu.memory_space<vmem_shared>>) offsets(%dma_start3A_75 : memref<125xi32, #tpu.memory_space<vmem>>) semaphore(%run_scoped3A_72 : memref<!tpu.dma_semaphore, #tpu.memory_space<semaphore_mem>>) {add = true}
        %dma_wait3A_79 = arith.constant 0 : i32
        %dma_wait3A_80 = tpu.memref_slice %arg7[%mul3A_47, %dma_wait3A_79] : memref<40x125xi32, #tpu.memory_space<vmem>> -> memref<1x125xi32, #tpu.memory_space<vmem>>
        %dma_wait3A_81 = tpu.memref_squeeze %dma_wait3A_80 : memref<1x125xi32, #tpu.memory_space<vmem>> -> memref<125xi32, #tpu.memory_space<vmem>>
        %dma_wait3A_82 = arith.constant 0 : i32
        %dma_wait3A_83 = arith.constant 0 : i32
        %dma_wait3A_84 = tpu.memref_slice %arg10[%dma_wait3A_82, %dma_wait3A_83] : memref<10000x128xf32, #tpu.memory_space<vmem_shared>> -> memref<10000x128xf32, #tpu.memory_space<vmem_shared>>
        tpu.wait_indirect_dma semaphore(%run_scoped3A_72 : memref<!tpu.dma_semaphore, #tpu.memory_space<semaphore_mem>>) src(%arg8 : memref<125x128xf32, #tpu.memory_space<vmem>>) dst(%dma_wait3A_84 : memref<10000x128xf32, #tpu.memory_space<vmem_shared>>)
        tpu.yield
      }) : () -> ()
      %lt3A_61 = arith.constant 19 : i32
      %lt3A_62 = arith.cmpi slt, %scan3A_45, %lt3A_61 : i32
      %convert_element_type3A_63 = arith.extui %lt3A_62 : i1 to i32
      %cond3A_64 = arith.constant 0 : i32
      %cond3A_65 = arith.cmpi ne, %convert_element_type3A_63, %cond3A_64 : i32
      scf.if %cond3A_65 {
        %add3A_72 = arith.constant 2 : i32
        %add3A_73 = arith.addi %mul3A_47, %add3A_72 : i32
        %dma_start3A_74 = arith.constant 0 : i32
        %dma_start3A_75 = tpu.memref_slice %arg6[%add3A_73, %dma_start3A_74] : memref<40x125xi32, #tpu.memory_space<vmem>> -> memref<1x125xi32, #tpu.memory_space<vmem>>
        %dma_start3A_76 = tpu.memref_squeeze %dma_start3A_75 : memref<1x125xi32, #tpu.memory_space<vmem>> -> memref<125xi32, #tpu.memory_space<vmem>>
        %dma_start3A_77 = arith.constant 0 : i32
        %dma_start3A_78 = arith.constant 0 : i32
        %dma_start3A_79 = tpu.memref_slice %arg2[%dma_start3A_77, %dma_start3A_78] : memref<10000x128xf32, #tpu.memory_space<hbm>> -> memref<10000x128xf32, #tpu.memory_space<hbm>>
        tpu.enqueue_indirect_dma source(%dma_start3A_79 : memref<10000x128xf32, #tpu.memory_space<hbm>>) target(%arg8 : memref<125x128xf32, #tpu.memory_space<vmem>>) offsets(%dma_start3A_76 : memref<125xi32, #tpu.memory_space<vmem>>) semaphore(%arg11 : memref<!tpu.dma_semaphore, #tpu.memory_space<semaphore_mem>>)
      } else {
      }
      %dma_wait3A_66 = arith.constant 0 : i32
      %dma_wait3A_67 = tpu.memref_slice %arg6[%add3A_49, %dma_wait3A_66] : memref<40x125xi32, #tpu.memory_space<vmem>> -> memref<1x125xi32, #tpu.memory_space<vmem>>
      %dma_wait3A_68 = tpu.memref_squeeze %dma_wait3A_67 : memref<1x125xi32, #tpu.memory_space<vmem>> -> memref<125xi32, #tpu.memory_space<vmem>>
      %dma_wait3A_69 = arith.constant 0 : i32
      %dma_wait3A_70 = arith.constant 0 : i32
      %dma_wait3A_71 = tpu.memref_slice %arg2[%dma_wait3A_69, %dma_wait3A_70] : memref<10000x128xf32, #tpu.memory_space<hbm>> -> memref<10000x128xf32, #tpu.memory_space<hbm>>
      tpu.wait_indirect_dma semaphore(%arg12 : memref<!tpu.dma_semaphore, #tpu.memory_space<semaphore_mem>>) src(%dma_wait3A_71 : memref<10000x128xf32, #tpu.memory_space<hbm>>) dst(%arg9 : memref<125x128xf32, #tpu.memory_space<vmem>>)
      "tpu.region"() ({
        %run_scoped3A_72 = tpu.sem_alloc : memref<!tpu.dma_semaphore, #tpu.memory_space<semaphore_mem>>
        %dma_start3A_73 = arith.constant 0 : i32
        %dma_start3A_74 = tpu.memref_slice %arg7[%add3A_49, %dma_start3A_73] : memref<40x125xi32, #tpu.memory_space<vmem>> -> memref<1x125xi32, #tpu.memory_space<vmem>>
        %dma_start3A_75 = tpu.memref_squeeze %dma_start3A_74 : memref<1x125xi32, #tpu.memory_space<vmem>> -> memref<125xi32, #tpu.memory_space<vmem>>
        %dma_start3A_76 = arith.constant 0 : i32
        %dma_start3A_77 = arith.constant 0 : i32
        %dma_start3A_78 = tpu.memref_slice %arg10[%dma_start3A_76, %dma_start3A_77] : memref<10000x128xf32, #tpu.memory_space<vmem_shared>> -> memref<10000x128xf32, #tpu.memory_space<vmem_shared>>
        tpu.enqueue_indirect_dma source(%arg9 : memref<125x128xf32, #tpu.memory_space<vmem>>) target(%dma_start3A_78 : memref<10000x128xf32, #tpu.memory_space<vmem_shared>>) offsets(%dma_start3A_75 : memref<125xi32, #tpu.memory_space<vmem>>) semaphore(%run_scoped3A_72 : memref<!tpu.dma_semaphore, #tpu.memory_space<semaphore_mem>>) {add = true}
        %dma_wait3A_79 = arith.constant 0 : i32
        %dma_wait3A_80 = tpu.memref_slice %arg7[%add3A_49, %dma_wait3A_79] : memref<40x125xi32, #tpu.memory_space<vmem>> -> memref<1x125xi32, #tpu.memory_space<vmem>>
        %dma_wait3A_81 = tpu.memref_squeeze %dma_wait3A_80 : memref<1x125xi32, #tpu.memory_space<vmem>> -> memref<125xi32, #tpu.memory_space<vmem>>
        %dma_wait3A_82 = arith.constant 0 : i32
        %dma_wait3A_83 = arith.constant 0 : i32
        %dma_wait3A_84 = tpu.memref_slice %arg10[%dma_wait3A_82, %dma_wait3A_83] : memref<10000x128xf32, #tpu.memory_space<vmem_shared>> -> memref<10000x128xf32, #tpu.memory_space<vmem_shared>>
        tpu.wait_indirect_dma semaphore(%run_scoped3A_72 : memref<!tpu.dma_semaphore, #tpu.memory_space<semaphore_mem>>) src(%arg9 : memref<125x128xf32, #tpu.memory_space<vmem>>) dst(%dma_wait3A_84 : memref<10000x128xf32, #tpu.memory_space<vmem_shared>>)
        tpu.yield
      }) : () -> ()
    }
    %scan3A_18 = arith.constant 20 : i32
    %run_scoped3A_19 = arith.constant 0 : i32
    "tpu.region"() ({
      %run_scoped3A_45 = tpu.sem_alloc : memref<!tpu.dma_semaphore, #tpu.memory_space<semaphore_mem>>
      %dma_start3A_46 = arith.constant 40 : i32
      %dma_start3A_47 = arith.constant 0 : i32
      %dma_start3A_48 = tpu.memref_slice %arg3[%run_scoped3A_19, %add3A, %dma_start3A_46, %dma_start3A_47] : memref<2x32x80x125xi32, #tpu.memory_space<hbm>> -> memref<1x1x40x125xi32, #tpu.memory_space<hbm>>
      %dma_start3A_49 = tpu.memref_squeeze %dma_start3A_48 : memref<1x1x40x125xi32, #tpu.memory_space<hbm>> -> memref<40x125xi32, #tpu.memory_space<hbm>>
      %dma_start3A_50 = arith.constant 40 : i32
      %dma_start3A_51 = arith.constant 0 : i32
      %dma_start3A_52 = tpu.memref_slice %arg3[%run_scoped3A_19, %add3A, %dma_start3A_50, %dma_start3A_51] : memref<2x32x80x125xi32, #tpu.memory_space<hbm>> -> memref<1x1x40x125xi32, #tpu.memory_space<hbm>>
      %dma_start3A_53 = tpu.memref_squeeze %dma_start3A_52 : memref<1x1x40x125xi32, #tpu.memory_space<hbm>> -> memref<40x125xi32, #tpu.memory_space<hbm>>
      tpu.enqueue_dma source(%dma_start3A_53 : memref<40x125xi32, #tpu.memory_space<hbm>>) target(%arg6 : memref<40x125xi32, #tpu.memory_space<vmem>>) target_semaphore(%run_scoped3A_45 : memref<!tpu.dma_semaphore, #tpu.memory_space<semaphore_mem>>)
      %dma_wait3A = arith.constant 40 : i32
      %dma_wait3A_54 = arith.constant 0 : i32
      %dma_wait3A_55 = tpu.memref_slice %arg3[%run_scoped3A_19, %add3A, %dma_wait3A, %dma_wait3A_54] : memref<2x32x80x125xi32, #tpu.memory_space<hbm>> -> memref<1x1x40x125xi32, #tpu.memory_space<hbm>>
      %dma_wait3A_56 = tpu.memref_squeeze %dma_wait3A_55 : memref<1x1x40x125xi32, #tpu.memory_space<hbm>> -> memref<40x125xi32, #tpu.memory_space<hbm>>
      %dma_wait3A_57 = arith.constant 40 : i32
      %dma_wait3A_58 = arith.constant 0 : i32
      %dma_wait3A_59 = tpu.memref_slice %arg3[%run_scoped3A_19, %add3A, %dma_wait3A_57, %dma_wait3A_58] : memref<2x32x80x125xi32, #tpu.memory_space<hbm>> -> memref<1x1x40x125xi32, #tpu.memory_space<hbm>>
      %dma_wait3A_60 = tpu.memref_squeeze %dma_wait3A_59 : memref<1x1x40x125xi32, #tpu.memory_space<hbm>> -> memref<40x125xi32, #tpu.memory_space<hbm>>
      tpu.wait_dma2 semaphore(%run_scoped3A_45 : memref<!tpu.dma_semaphore, #tpu.memory_space<semaphore_mem>>) src(%dma_wait3A_60 : memref<40x125xi32, #tpu.memory_space<hbm>>) dst(%arg6 : memref<40x125xi32, #tpu.memory_space<vmem>>)
      tpu.yield
    }) : () -> ()
    %run_scoped3A_20 = arith.constant 1 : i32
    "tpu.region"() ({
      %run_scoped3A_45 = tpu.sem_alloc : memref<!tpu.dma_semaphore, #tpu.memory_space<semaphore_mem>>
      %dma_start3A_46 = arith.constant 40 : i32
      %dma_start3A_47 = arith.constant 0 : i32
      %dma_start3A_48 = tpu.memref_slice %arg3[%run_scoped3A_20, %add3A, %dma_start3A_46, %dma_start3A_47] : memref<2x32x80x125xi32, #tpu.memory_space<hbm>> -> memref<1x1x40x125xi32, #tpu.memory_space<hbm>>
      %dma_start3A_49 = tpu.memref_squeeze %dma_start3A_48 : memref<1x1x40x125xi32, #tpu.memory_space<hbm>> -> memref<40x125xi32, #tpu.memory_space<hbm>>
      %dma_start3A_50 = arith.constant 40 : i32
      %dma_start3A_51 = arith.constant 0 : i32
      %dma_start3A_52 = tpu.memref_slice %arg3[%run_scoped3A_20, %add3A, %dma_start3A_50, %dma_start3A_51] : memref<2x32x80x125xi32, #tpu.memory_space<hbm>> -> memref<1x1x40x125xi32, #tpu.memory_space<hbm>>
      %dma_start3A_53 = tpu.memref_squeeze %dma_start3A_52 : memref<1x1x40x125xi32, #tpu.memory_space<hbm>> -> memref<40x125xi32, #tpu.memory_space<hbm>>
      tpu.enqueue_dma source(%dma_start3A_53 : memref<40x125xi32, #tpu.memory_space<hbm>>) target(%arg7 : memref<40x125xi32, #tpu.memory_space<vmem>>) target_semaphore(%run_scoped3A_45 : memref<!tpu.dma_semaphore, #tpu.memory_space<semaphore_mem>>)
      %dma_wait3A = arith.constant 40 : i32
      %dma_wait3A_54 = arith.constant 0 : i32
      %dma_wait3A_55 = tpu.memref_slice %arg3[%run_scoped3A_20, %add3A, %dma_wait3A, %dma_wait3A_54] : memref<2x32x80x125xi32, #tpu.memory_space<hbm>> -> memref<1x1x40x125xi32, #tpu.memory_space<hbm>>
      %dma_wait3A_56 = tpu.memref_squeeze %dma_wait3A_55 : memref<1x1x40x125xi32, #tpu.memory_space<hbm>> -> memref<40x125xi32, #tpu.memory_space<hbm>>
      %dma_wait3A_57 = arith.constant 40 : i32
      %dma_wait3A_58 = arith.constant 0 : i32
      %dma_wait3A_59 = tpu.memref_slice %arg3[%run_scoped3A_20, %add3A, %dma_wait3A_57, %dma_wait3A_58] : memref<2x32x80x125xi32, #tpu.memory_space<hbm>> -> memref<1x1x40x125xi32, #tpu.memory_space<hbm>>
      %dma_wait3A_60 = tpu.memref_squeeze %dma_wait3A_59 : memref<1x1x40x125xi32, #tpu.memory_space<hbm>> -> memref<40x125xi32, #tpu.memory_space<hbm>>
      tpu.wait_dma2 semaphore(%run_scoped3A_45 : memref<!tpu.dma_semaphore, #tpu.memory_space<semaphore_mem>>) src(%dma_wait3A_60 : memref<40x125xi32, #tpu.memory_space<hbm>>) dst(%arg7 : memref<40x125xi32, #tpu.memory_space<vmem>>)
      tpu.yield
    }) : () -> ()
    %dma_start3A_21 = arith.constant 0 : i32
    %dma_start3A_22 = arith.constant 0 : i32
    %dma_start3A_23 = tpu.memref_slice %arg6[%dma_start3A_21, %dma_start3A_22] : memref<40x125xi32, #tpu.memory_space<vmem>> -> memref<1x125xi32, #tpu.memory_space<vmem>>
    %dma_start3A_24 = tpu.memref_squeeze %dma_start3A_23 : memref<1x125xi32, #tpu.memory_space<vmem>> -> memref<125xi32, #tpu.memory_space<vmem>>
    %dma_start3A_25 = arith.constant 0 : i32
    %dma_start3A_26 = arith.constant 0 : i32
    %dma_start3A_27 = tpu.memref_slice %arg2[%dma_start3A_25, %dma_start3A_26] : memref<10000x128xf32, #tpu.memory_space<hbm>> -> memref<10000x128xf32, #tpu.memory_space<hbm>>
    tpu.enqueue_indirect_dma source(%dma_start3A_27 : memref<10000x128xf32, #tpu.memory_space<hbm>>) target(%arg8 : memref<125x128xf32, #tpu.memory_space<vmem>>) offsets(%dma_start3A_24 : memref<125xi32, #tpu.memory_space<vmem>>) semaphore(%arg11 : memref<!tpu.dma_semaphore, #tpu.memory_space<semaphore_mem>>)
    %scan3A_28 = arith.constant 0 : i32
    %scan3A_29 = arith.constant 0 : i32
    %scan3A_30 = arith.constant 20 : i32
    %scan3A_31 = arith.addi %scan3A_29, %scan3A_30 : i32
    %scan3A_32 = arith.constant 1 : i32
    scf.for %scan3A_45 = %scan3A_29 to %scan3A_31 step %scan3A_32  : i32 {
      %mul3A_46 = arith.constant 2 : i32
      %mul3A_47 = arith.muli %mul3A_46, %scan3A_45 : i32
      %add3A_48 = arith.constant 1 : i32
      %add3A_49 = arith.addi %mul3A_47, %add3A_48 : i32
      %dma_start3A_50 = arith.constant 0 : i32
      %dma_start3A_51 = tpu.memref_slice %arg6[%add3A_49, %dma_start3A_50] : memref<40x125xi32, #tpu.memory_space<vmem>> -> memref<1x125xi32, #tpu.memory_space<vmem>>
      %dma_start3A_52 = tpu.memref_squeeze %dma_start3A_51 : memref<1x125xi32, #tpu.memory_space<vmem>> -> memref<125xi32, #tpu.memory_space<vmem>>
      %dma_start3A_53 = arith.constant 0 : i32
      %dma_start3A_54 = arith.constant 0 : i32
      %dma_start3A_55 = tpu.memref_slice %arg2[%dma_start3A_53, %dma_start3A_54] : memref<10000x128xf32, #tpu.memory_space<hbm>> -> memref<10000x128xf32, #tpu.memory_space<hbm>>
      tpu.enqueue_indirect_dma source(%dma_start3A_55 : memref<10000x128xf32, #tpu.memory_space<hbm>>) target(%arg9 : memref<125x128xf32, #tpu.memory_space<vmem>>) offsets(%dma_start3A_52 : memref<125xi32, #tpu.memory_space<vmem>>) semaphore(%arg12 : memref<!tpu.dma_semaphore, #tpu.memory_space<semaphore_mem>>)
      %dma_wait3A = arith.constant 0 : i32
      %dma_wait3A_56 = tpu.memref_slice %arg6[%mul3A_47, %dma_wait3A] : memref<40x125xi32, #tpu.memory_space<vmem>> -> memref<1x125xi32, #tpu.memory_space<vmem>>
      %dma_wait3A_57 = tpu.memref_squeeze %dma_wait3A_56 : memref<1x125xi32, #tpu.memory_space<vmem>> -> memref<125xi32, #tpu.memory_space<vmem>>
      %dma_wait3A_58 = arith.constant 0 : i32
      %dma_wait3A_59 = arith.constant 0 : i32
      %dma_wait3A_60 = tpu.memref_slice %arg2[%dma_wait3A_58, %dma_wait3A_59] : memref<10000x128xf32, #tpu.memory_space<hbm>> -> memref<10000x128xf32, #tpu.memory_space<hbm>>
      tpu.wait_indirect_dma semaphore(%arg11 : memref<!tpu.dma_semaphore, #tpu.memory_space<semaphore_mem>>) src(%dma_wait3A_60 : memref<10000x128xf32, #tpu.memory_space<hbm>>) dst(%arg8 : memref<125x128xf32, #tpu.memory_space<vmem>>)
      "tpu.region"() ({
        %run_scoped3A_72 = tpu.sem_alloc : memref<!tpu.dma_semaphore, #tpu.memory_space<semaphore_mem>>
        %dma_start3A_73 = arith.constant 0 : i32
        %dma_start3A_74 = tpu.memref_slice %arg7[%mul3A_47, %dma_start3A_73] : memref<40x125xi32, #tpu.memory_space<vmem>> -> memref<1x125xi32, #tpu.memory_space<vmem>>
        %dma_start3A_75 = tpu.memref_squeeze %dma_start3A_74 : memref<1x125xi32, #tpu.memory_space<vmem>> -> memref<125xi32, #tpu.memory_space<vmem>>
        %dma_start3A_76 = arith.constant 0 : i32
        %dma_start3A_77 = arith.constant 0 : i32
        %dma_start3A_78 = tpu.memref_slice %arg10[%dma_start3A_76, %dma_start3A_77] : memref<10000x128xf32, #tpu.memory_space<vmem_shared>> -> memref<10000x128xf32, #tpu.memory_space<vmem_shared>>
        tpu.enqueue_indirect_dma source(%arg8 : memref<125x128xf32, #tpu.memory_space<vmem>>) target(%dma_start3A_78 : memref<10000x128xf32, #tpu.memory_space<vmem_shared>>) offsets(%dma_start3A_75 : memref<125xi32, #tpu.memory_space<vmem>>) semaphore(%run_scoped3A_72 : memref<!tpu.dma_semaphore, #tpu.memory_space<semaphore_mem>>) {add = true}
        %dma_wait3A_79 = arith.constant 0 : i32
        %dma_wait3A_80 = tpu.memref_slice %arg7[%mul3A_47, %dma_wait3A_79] : memref<40x125xi32, #tpu.memory_space<vmem>> -> memref<1x125xi32, #tpu.memory_space<vmem>>
        %dma_wait3A_81 = tpu.memref_squeeze %dma_wait3A_80 : memref<1x125xi32, #tpu.memory_space<vmem>> -> memref<125xi32, #tpu.memory_space<vmem>>
        %dma_wait3A_82 = arith.constant 0 : i32
        %dma_wait3A_83 = arith.constant 0 : i32
        %dma_wait3A_84 = tpu.memref_slice %arg10[%dma_wait3A_82, %dma_wait3A_83] : memref<10000x128xf32, #tpu.memory_space<vmem_shared>> -> memref<10000x128xf32, #tpu.memory_space<vmem_shared>>
        tpu.wait_indirect_dma semaphore(%run_scoped3A_72 : memref<!tpu.dma_semaphore, #tpu.memory_space<semaphore_mem>>) src(%arg8 : memref<125x128xf32, #tpu.memory_space<vmem>>) dst(%dma_wait3A_84 : memref<10000x128xf32, #tpu.memory_space<vmem_shared>>)
        tpu.yield
      }) : () -> ()
      %lt3A_61 = arith.constant 19 : i32
      %lt3A_62 = arith.cmpi slt, %scan3A_45, %lt3A_61 : i32
      %convert_element_type3A_63 = arith.extui %lt3A_62 : i1 to i32
      %cond3A_64 = arith.constant 0 : i32
      %cond3A_65 = arith.cmpi ne, %convert_element_type3A_63, %cond3A_64 : i32
      scf.if %cond3A_65 {
        %add3A_72 = arith.constant 2 : i32
        %add3A_73 = arith.addi %mul3A_47, %add3A_72 : i32
        %dma_start3A_74 = arith.constant 0 : i32
        %dma_start3A_75 = tpu.memref_slice %arg6[%add3A_73, %dma_start3A_74] : memref<40x125xi32, #tpu.memory_space<vmem>> -> memref<1x125xi32, #tpu.memory_space<vmem>>
        %dma_start3A_76 = tpu.memref_squeeze %dma_start3A_75 : memref<1x125xi32, #tpu.memory_space<vmem>> -> memref<125xi32, #tpu.memory_space<vmem>>
        %dma_start3A_77 = arith.constant 0 : i32
        %dma_start3A_78 = arith.constant 0 : i32
        %dma_start3A_79 = tpu.memref_slice %arg2[%dma_start3A_77, %dma_start3A_78] : memref<10000x128xf32, #tpu.memory_space<hbm>> -> memref<10000x128xf32, #tpu.memory_space<hbm>>
        tpu.enqueue_indirect_dma source(%dma_start3A_79 : memref<10000x128xf32, #tpu.memory_space<hbm>>) target(%arg8 : memref<125x128xf32, #tpu.memory_space<vmem>>) offsets(%dma_start3A_76 : memref<125xi32, #tpu.memory_space<vmem>>) semaphore(%arg11 : memref<!tpu.dma_semaphore, #tpu.memory_space<semaphore_mem>>)
      } else {
      }
      %dma_wait3A_66 = arith.constant 0 : i32
      %dma_wait3A_67 = tpu.memref_slice %arg6[%add3A_49, %dma_wait3A_66] : memref<40x125xi32, #tpu.memory_space<vmem>> -> memref<1x125xi32, #tpu.memory_space<vmem>>
      %dma_wait3A_68 = tpu.memref_squeeze %dma_wait3A_67 : memref<1x125xi32, #tpu.memory_space<vmem>> -> memref<125xi32, #tpu.memory_space<vmem>>
      %dma_wait3A_69 = arith.constant 0 : i32
      %dma_wait3A_70 = arith.constant 0 : i32
      %dma_wait3A_71 = tpu.memref_slice %arg2[%dma_wait3A_69, %dma_wait3A_70] : memref<10000x128xf32, #tpu.memory_space<hbm>> -> memref<10000x128xf32, #tpu.memory_space<hbm>>
      tpu.wait_indirect_dma semaphore(%arg12 : memref<!tpu.dma_semaphore, #tpu.memory_space<semaphore_mem>>) src(%dma_wait3A_71 : memref<10000x128xf32, #tpu.memory_space<hbm>>) dst(%arg9 : memref<125x128xf32, #tpu.memory_space<vmem>>)
      "tpu.region"() ({
        %run_scoped3A_72 = tpu.sem_alloc : memref<!tpu.dma_semaphore, #tpu.memory_space<semaphore_mem>>
        %dma_start3A_73 = arith.constant 0 : i32
        %dma_start3A_74 = tpu.memref_slice %arg7[%add3A_49, %dma_start3A_73] : memref<40x125xi32, #tpu.memory_space<vmem>> -> memref<1x125xi32, #tpu.memory_space<vmem>>
        %dma_start3A_75 = tpu.memref_squeeze %dma_start3A_74 : memref<1x125xi32, #tpu.memory_space<vmem>> -> memref<125xi32, #tpu.memory_space<vmem>>
        %dma_start3A_76 = arith.constant 0 : i32
        %dma_start3A_77 = arith.constant 0 : i32
        %dma_start3A_78 = tpu.memref_slice %arg10[%dma_start3A_76, %dma_start3A_77] : memref<10000x128xf32, #tpu.memory_space<vmem_shared>> -> memref<10000x128xf32, #tpu.memory_space<vmem_shared>>
        tpu.enqueue_indirect_dma source(%arg9 : memref<125x128xf32, #tpu.memory_space<vmem>>) target(%dma_start3A_78 : memref<10000x128xf32, #tpu.memory_space<vmem_shared>>) offsets(%dma_start3A_75 : memref<125xi32, #tpu.memory_space<vmem>>) semaphore(%run_scoped3A_72 : memref<!tpu.dma_semaphore, #tpu.memory_space<semaphore_mem>>) {add = true}
        %dma_wait3A_79 = arith.constant 0 : i32
        %dma_wait3A_80 = tpu.memref_slice %arg7[%add3A_49, %dma_wait3A_79] : memref<40x125xi32, #tpu.memory_space<vmem>> -> memref<1x125xi32, #tpu.memory_space<vmem>>
        %dma_wait3A_81 = tpu.memref_squeeze %dma_wait3A_80 : memref<1x125xi32, #tpu.memory_space<vmem>> -> memref<125xi32, #tpu.memory_space<vmem>>
        %dma_wait3A_82 = arith.constant 0 : i32
        %dma_wait3A_83 = arith.constant 0 : i32
        %dma_wait3A_84 = tpu.memref_slice %arg10[%dma_wait3A_82, %dma_wait3A_83] : memref<10000x128xf32, #tpu.memory_space<vmem_shared>> -> memref<10000x128xf32, #tpu.memory_space<vmem_shared>>
        tpu.wait_indirect_dma semaphore(%run_scoped3A_72 : memref<!tpu.dma_semaphore, #tpu.memory_space<semaphore_mem>>) src(%arg9 : memref<125x128xf32, #tpu.memory_space<vmem>>) dst(%dma_wait3A_84 : memref<10000x128xf32, #tpu.memory_space<vmem_shared>>)
        tpu.yield
      }) : () -> ()
    }
    %scan3A_33 = arith.constant 20 : i32
    %barrier3A_34 = arith.constant 0 : index
    tpu.barrier barrier_id(%barrier3A_34)
    %lt3A_35 = arith.constant 15 : i32
    %lt3A_36 = arith.cmpi slt, %arg1, %lt3A_35 : i32
    %convert_element_type3A_37 = arith.extui %lt3A_36 : i1 to i32
    %cond3A_38 = arith.constant 0 : i32
    %cond3A_39 = arith.cmpi ne, %convert_element_type3A_37, %cond3A_38 : i32
    scf.if %cond3A_39 {
      %mul3A_45 = arith.constant 640 : i32
      %mul3A_46 = arith.muli %arg1, %mul3A_45 : i32
      %mul3A_47 = arith.constant 640 : i32
      %mul3A_48 = arith.muli %arg1, %mul3A_47 : i32
      "tpu.region"() ({
        %run_scoped3A_49 = tpu.sem_alloc : memref<!tpu.dma_semaphore, #tpu.memory_space<semaphore_mem>>
        %dma_start3A_50 = arith.constant 0 : i32
        %dma_start3A_51 = tpu.memref_slice %arg5[%arg0, %mul3A_48, %dma_start3A_50] : memref<2x10000x128xf32, #tpu.memory_space<hbm>> -> memref<1x640x128xf32, #tpu.memory_space<hbm>>
        %dma_start3A_52 = tpu.memref_squeeze %dma_start3A_51 : memref<1x640x128xf32, #tpu.memory_space<hbm>> -> memref<640x128xf32, #tpu.memory_space<hbm>>
        %dma_start3A_53 = arith.constant 0 : i32
        %dma_start3A_54 = tpu.memref_slice %arg10[%mul3A_46, %dma_start3A_53] : memref<10000x128xf32, #tpu.memory_space<vmem_shared>> -> memref<640x128xf32, #tpu.memory_space<vmem_shared>>
        tpu.enqueue_dma source(%dma_start3A_54 : memref<640x128xf32, #tpu.memory_space<vmem_shared>>) target(%dma_start3A_52 : memref<640x128xf32, #tpu.memory_space<hbm>>) target_semaphore(%run_scoped3A_49 : memref<!tpu.dma_semaphore, #tpu.memory_space<semaphore_mem>>)
        %dma_wait3A = arith.constant 0 : i32
        %dma_wait3A_55 = tpu.memref_slice %arg5[%arg0, %mul3A_48, %dma_wait3A] : memref<2x10000x128xf32, #tpu.memory_space<hbm>> -> memref<1x640x128xf32, #tpu.memory_space<hbm>>
        %dma_wait3A_56 = tpu.memref_squeeze %dma_wait3A_55 : memref<1x640x128xf32, #tpu.memory_space<hbm>> -> memref<640x128xf32, #tpu.memory_space<hbm>>
        %dma_wait3A_57 = arith.constant 0 : i32
        %dma_wait3A_58 = tpu.memref_slice %arg10[%mul3A_46, %dma_wait3A_57] : memref<10000x128xf32, #tpu.memory_space<vmem_shared>> -> memref<640x128xf32, #tpu.memory_space<vmem_shared>>
        tpu.wait_dma2 semaphore(%run_scoped3A_49 : memref<!tpu.dma_semaphore, #tpu.memory_space<semaphore_mem>>) src(%dma_wait3A_58 : memref<640x128xf32, #tpu.memory_space<vmem_shared>>) dst(%dma_wait3A_56 : memref<640x128xf32, #tpu.memory_space<hbm>>)
        tpu.yield
      }) : () -> ()
    } else {
    }
    %eq3A_40 = arith.constant 15 : i32
    %eq3A_41 = arith.cmpi eq, %arg1, %eq3A_40 : i32
    %convert_element_type3A_42 = arith.extui %eq3A_41 : i1 to i32
    %cond3A_43 = arith.constant 0 : i32
    %cond3A_44 = arith.cmpi ne, %convert_element_type3A_42, %cond3A_43 : i32
    scf.if %cond3A_44 {
      "tpu.region"() ({
        %run_scoped3A_45 = tpu.sem_alloc : memref<!tpu.dma_semaphore, #tpu.memory_space<semaphore_mem>>
        %dma_start3A_46 = arith.constant 9600 : i32
        %dma_start3A_47 = arith.constant 0 : i32
        %dma_start3A_48 = tpu.memref_slice %arg5[%arg0, %dma_start3A_46, %dma_start3A_47] : memref<2x10000x128xf32, #tpu.memory_space<hbm>> -> memref<1x400x128xf32, #tpu.memory_space<hbm>>
        %dma_start3A_49 = tpu.memref_squeeze %dma_start3A_48 : memref<1x400x128xf32, #tpu.memory_space<hbm>> -> memref<400x128xf32, #tpu.memory_space<hbm>>
        %dma_start3A_50 = arith.constant 9600 : i32
        %dma_start3A_51 = arith.constant 0 : i32
        %dma_start3A_52 = tpu.memref_slice %arg10[%dma_start3A_50, %dma_start3A_51] : memref<10000x128xf32, #tpu.memory_space<vmem_shared>> -> memref<400x128xf32, #tpu.memory_space<vmem_shared>>
        tpu.enqueue_dma source(%dma_start3A_52 : memref<400x128xf32, #tpu.memory_space<vmem_shared>>) target(%dma_start3A_49 : memref<400x128xf32, #tpu.memory_space<hbm>>) target_semaphore(%run_scoped3A_45 : memref<!tpu.dma_semaphore, #tpu.memory_space<semaphore_mem>>)
        %dma_wait3A = arith.constant 9600 : i32
        %dma_wait3A_53 = arith.constant 0 : i32
        %dma_wait3A_54 = tpu.memref_slice %arg5[%arg0, %dma_wait3A, %dma_wait3A_53] : memref<2x10000x128xf32, #tpu.memory_space<hbm>> -> memref<1x400x128xf32, #tpu.memory_space<hbm>>
        %dma_wait3A_55 = tpu.memref_squeeze %dma_wait3A_54 : memref<1x400x128xf32, #tpu.memory_space<hbm>> -> memref<400x128xf32, #tpu.memory_space<hbm>>
        %dma_wait3A_56 = arith.constant 9600 : i32
        %dma_wait3A_57 = arith.constant 0 : i32
        %dma_wait3A_58 = tpu.memref_slice %arg10[%dma_wait3A_56, %dma_wait3A_57] : memref<10000x128xf32, #tpu.memory_space<vmem_shared>> -> memref<400x128xf32, #tpu.memory_space<vmem_shared>>
        tpu.wait_dma2 semaphore(%run_scoped3A_45 : memref<!tpu.dma_semaphore, #tpu.memory_space<semaphore_mem>>) src(%dma_wait3A_58 : memref<400x128xf32, #tpu.memory_space<vmem_shared>>) dst(%dma_wait3A_55 : memref<400x128xf32, #tpu.memory_space<hbm>>)
        tpu.yield
      }) : () -> ()
    } else {
    }
    return
  }
}

#map = affine_map<(d0, d1) -> (0, 0, 0, 0)>
#map1 = affine_map<(d0, d1) -> (0, 0)>
#map2 = affine_map<(d0, d1) -> (0, 0, 0)>
module attributes {stable_mosaic.version = 14 : i64} {
  func.func @_deg_kernel(%arg0: i32, %arg1: i32, %arg2: memref<2x32x80x125xi32, #tpu.memory_space<hbm>>, %arg3: memref<125x128xf32, #tpu.memory_space<hbm>>, %arg4: memref<640x128xf32, #tpu.memory_space<hbm>>, %arg5: memref<2x10000x128xf32, #tpu.memory_space<hbm>>, %arg6: memref<160x125xi32, #tpu.memory_space<vmem>>, %arg7: memref<125x128xf32, #tpu.memory_space<vmem>>, %arg8: memref<10000x128xf32, #tpu.memory_space<vmem_shared>>, %arg9: memref<!tpu.dma_semaphore, #tpu.memory_space<semaphore_mem>>) attributes {dimension_semantics = [#tpu.dimension_semantics<core_parallel>, #tpu.dimension_semantics<subcore_parallel>], iteration_bounds = array<i64: 2, 16>, scalar_prefetch = 0 : i64, scratch_operands = 4 : i64, tpu.core_type = #tpu.core_type<sc_vector_subcore>, window_params = [{transform_indices = #map}, {transform_indices = #map1}, {transform_indices = #map1}, {transform_indices = #map2}]} {
    %mul3A = arith.constant 2 : i32
    %mul3A_0 = arith.muli %mul3A, %arg1 : i32
    "tpu.region"() ({
      %run_scoped3A = tpu.sem_alloc : memref<!tpu.dma_semaphore, #tpu.memory_space<semaphore_mem>>
      %dma_start3A = arith.constant 0 : i32
      %dma_start3A_32 = arith.constant 0 : i32
      %dma_start3A_33 = tpu.memref_slice %arg6[%dma_start3A, %dma_start3A_32] : memref<160x125xi32, #tpu.memory_space<vmem>> -> memref<80x125xi32, #tpu.memory_space<vmem>>
      %dma_start3A_34 = arith.constant 0 : i32
      %dma_start3A_35 = arith.constant 0 : i32
      %dma_start3A_36 = tpu.memref_slice %arg2[%arg0, %mul3A_0, %dma_start3A_34, %dma_start3A_35] : memref<2x32x80x125xi32, #tpu.memory_space<hbm>> -> memref<1x1x80x125xi32, #tpu.memory_space<hbm>>
      %dma_start3A_37 = tpu.memref_squeeze %dma_start3A_36 : memref<1x1x80x125xi32, #tpu.memory_space<hbm>> -> memref<80x125xi32, #tpu.memory_space<hbm>>
      %dma_start3A_38 = arith.constant 0 : i32
      %dma_start3A_39 = arith.constant 0 : i32
      %dma_start3A_40 = tpu.memref_slice %arg6[%dma_start3A_38, %dma_start3A_39] : memref<160x125xi32, #tpu.memory_space<vmem>> -> memref<80x125xi32, #tpu.memory_space<vmem>>
      %dma_start3A_41 = arith.constant 0 : i32
      %dma_start3A_42 = arith.constant 0 : i32
      %dma_start3A_43 = tpu.memref_slice %arg2[%arg0, %mul3A_0, %dma_start3A_41, %dma_start3A_42] : memref<2x32x80x125xi32, #tpu.memory_space<hbm>> -> memref<1x1x80x125xi32, #tpu.memory_space<hbm>>
      %dma_start3A_44 = tpu.memref_squeeze %dma_start3A_43 : memref<1x1x80x125xi32, #tpu.memory_space<hbm>> -> memref<80x125xi32, #tpu.memory_space<hbm>>
      tpu.enqueue_dma source(%dma_start3A_44 : memref<80x125xi32, #tpu.memory_space<hbm>>) target(%dma_start3A_40 : memref<80x125xi32, #tpu.memory_space<vmem>>) target_semaphore(%run_scoped3A : memref<!tpu.dma_semaphore, #tpu.memory_space<semaphore_mem>>)
      %dma_wait3A = arith.constant 0 : i32
      %dma_wait3A_45 = arith.constant 0 : i32
      %dma_wait3A_46 = tpu.memref_slice %arg6[%dma_wait3A, %dma_wait3A_45] : memref<160x125xi32, #tpu.memory_space<vmem>> -> memref<80x125xi32, #tpu.memory_space<vmem>>
      %dma_wait3A_47 = arith.constant 0 : i32
      %dma_wait3A_48 = arith.constant 0 : i32
      %dma_wait3A_49 = tpu.memref_slice %arg2[%arg0, %mul3A_0, %dma_wait3A_47, %dma_wait3A_48] : memref<2x32x80x125xi32, #tpu.memory_space<hbm>> -> memref<1x1x80x125xi32, #tpu.memory_space<hbm>>
      %dma_wait3A_50 = tpu.memref_squeeze %dma_wait3A_49 : memref<1x1x80x125xi32, #tpu.memory_space<hbm>> -> memref<80x125xi32, #tpu.memory_space<hbm>>
      %dma_wait3A_51 = arith.constant 0 : i32
      %dma_wait3A_52 = arith.constant 0 : i32
      %dma_wait3A_53 = tpu.memref_slice %arg6[%dma_wait3A_51, %dma_wait3A_52] : memref<160x125xi32, #tpu.memory_space<vmem>> -> memref<80x125xi32, #tpu.memory_space<vmem>>
      %dma_wait3A_54 = arith.constant 0 : i32
      %dma_wait3A_55 = arith.constant 0 : i32
      %dma_wait3A_56 = tpu.memref_slice %arg2[%arg0, %mul3A_0, %dma_wait3A_54, %dma_wait3A_55] : memref<2x32x80x125xi32, #tpu.memory_space<hbm>> -> memref<1x1x80x125xi32, #tpu.memory_space<hbm>>
      %dma_wait3A_57 = tpu.memref_squeeze %dma_wait3A_56 : memref<1x1x80x125xi32, #tpu.memory_space<hbm>> -> memref<80x125xi32, #tpu.memory_space<hbm>>
      tpu.wait_dma2 semaphore(%run_scoped3A : memref<!tpu.dma_semaphore, #tpu.memory_space<semaphore_mem>>) src(%dma_wait3A_57 : memref<80x125xi32, #tpu.memory_space<hbm>>) dst(%dma_wait3A_53 : memref<80x125xi32, #tpu.memory_space<vmem>>)
      tpu.yield
    }) : () -> ()
    %mul3A_1 = arith.constant 2 : i32
    %mul3A_2 = arith.muli %mul3A_1, %arg1 : i32
    %add3A = arith.constant 1 : i32
    %add3A_3 = arith.addi %mul3A_2, %add3A : i32
    "tpu.region"() ({
      %run_scoped3A = tpu.sem_alloc : memref<!tpu.dma_semaphore, #tpu.memory_space<semaphore_mem>>
      %dma_start3A = arith.constant 80 : i32
      %dma_start3A_32 = arith.constant 0 : i32
      %dma_start3A_33 = tpu.memref_slice %arg6[%dma_start3A, %dma_start3A_32] : memref<160x125xi32, #tpu.memory_space<vmem>> -> memref<80x125xi32, #tpu.memory_space<vmem>>
      %dma_start3A_34 = arith.constant 0 : i32
      %dma_start3A_35 = arith.constant 0 : i32
      %dma_start3A_36 = tpu.memref_slice %arg2[%arg0, %add3A_3, %dma_start3A_34, %dma_start3A_35] : memref<2x32x80x125xi32, #tpu.memory_space<hbm>> -> memref<1x1x80x125xi32, #tpu.memory_space<hbm>>
      %dma_start3A_37 = tpu.memref_squeeze %dma_start3A_36 : memref<1x1x80x125xi32, #tpu.memory_space<hbm>> -> memref<80x125xi32, #tpu.memory_space<hbm>>
      %dma_start3A_38 = arith.constant 80 : i32
      %dma_start3A_39 = arith.constant 0 : i32
      %dma_start3A_40 = tpu.memref_slice %arg6[%dma_start3A_38, %dma_start3A_39] : memref<160x125xi32, #tpu.memory_space<vmem>> -> memref<80x125xi32, #tpu.memory_space<vmem>>
      %dma_start3A_41 = arith.constant 0 : i32
      %dma_start3A_42 = arith.constant 0 : i32
      %dma_start3A_43 = tpu.memref_slice %arg2[%arg0, %add3A_3, %dma_start3A_41, %dma_start3A_42] : memref<2x32x80x125xi32, #tpu.memory_space<hbm>> -> memref<1x1x80x125xi32, #tpu.memory_space<hbm>>
      %dma_start3A_44 = tpu.memref_squeeze %dma_start3A_43 : memref<1x1x80x125xi32, #tpu.memory_space<hbm>> -> memref<80x125xi32, #tpu.memory_space<hbm>>
      tpu.enqueue_dma source(%dma_start3A_44 : memref<80x125xi32, #tpu.memory_space<hbm>>) target(%dma_start3A_40 : memref<80x125xi32, #tpu.memory_space<vmem>>) target_semaphore(%run_scoped3A : memref<!tpu.dma_semaphore, #tpu.memory_space<semaphore_mem>>)
      %dma_wait3A = arith.constant 80 : i32
      %dma_wait3A_45 = arith.constant 0 : i32
      %dma_wait3A_46 = tpu.memref_slice %arg6[%dma_wait3A, %dma_wait3A_45] : memref<160x125xi32, #tpu.memory_space<vmem>> -> memref<80x125xi32, #tpu.memory_space<vmem>>
      %dma_wait3A_47 = arith.constant 0 : i32
      %dma_wait3A_48 = arith.constant 0 : i32
      %dma_wait3A_49 = tpu.memref_slice %arg2[%arg0, %add3A_3, %dma_wait3A_47, %dma_wait3A_48] : memref<2x32x80x125xi32, #tpu.memory_space<hbm>> -> memref<1x1x80x125xi32, #tpu.memory_space<hbm>>
      %dma_wait3A_50 = tpu.memref_squeeze %dma_wait3A_49 : memref<1x1x80x125xi32, #tpu.memory_space<hbm>> -> memref<80x125xi32, #tpu.memory_space<hbm>>
      %dma_wait3A_51 = arith.constant 80 : i32
      %dma_wait3A_52 = arith.constant 0 : i32
      %dma_wait3A_53 = tpu.memref_slice %arg6[%dma_wait3A_51, %dma_wait3A_52] : memref<160x125xi32, #tpu.memory_space<vmem>> -> memref<80x125xi32, #tpu.memory_space<vmem>>
      %dma_wait3A_54 = arith.constant 0 : i32
      %dma_wait3A_55 = arith.constant 0 : i32
      %dma_wait3A_56 = tpu.memref_slice %arg2[%arg0, %add3A_3, %dma_wait3A_54, %dma_wait3A_55] : memref<2x32x80x125xi32, #tpu.memory_space<hbm>> -> memref<1x1x80x125xi32, #tpu.memory_space<hbm>>
      %dma_wait3A_57 = tpu.memref_squeeze %dma_wait3A_56 : memref<1x1x80x125xi32, #tpu.memory_space<hbm>> -> memref<80x125xi32, #tpu.memory_space<hbm>>
      tpu.wait_dma2 semaphore(%run_scoped3A : memref<!tpu.dma_semaphore, #tpu.memory_space<semaphore_mem>>) src(%dma_wait3A_57 : memref<80x125xi32, #tpu.memory_space<hbm>>) dst(%dma_wait3A_53 : memref<80x125xi32, #tpu.memory_space<vmem>>)
      tpu.yield
    }) : () -> ()
    "tpu.region"() ({
      %run_scoped3A = tpu.sem_alloc : memref<!tpu.dma_semaphore, #tpu.memory_space<semaphore_mem>>
      tpu.enqueue_dma source(%arg3 : memref<125x128xf32, #tpu.memory_space<hbm>>) target(%arg7 : memref<125x128xf32, #tpu.memory_space<vmem>>) target_semaphore(%run_scoped3A : memref<!tpu.dma_semaphore, #tpu.memory_space<semaphore_mem>>)
      tpu.wait_dma2 semaphore(%run_scoped3A : memref<!tpu.dma_semaphore, #tpu.memory_space<semaphore_mem>>) src(%arg3 : memref<125x128xf32, #tpu.memory_space<hbm>>) dst(%arg7 : memref<125x128xf32, #tpu.memory_space<vmem>>)
      tpu.yield
    }) : () -> ()
    %lt3A = arith.constant 15 : i32
    %lt3A_4 = arith.cmpi slt, %arg1, %lt3A : i32
    %convert_element_type3A = arith.extui %lt3A_4 : i1 to i32
    %cond3A = arith.constant 0 : i32
    %cond3A_5 = arith.cmpi ne, %convert_element_type3A, %cond3A : i32
    scf.if %cond3A_5 {
      %mul3A_32 = arith.constant 640 : i32
      %mul3A_33 = arith.muli %arg1, %mul3A_32 : i32
      "tpu.region"() ({
        %run_scoped3A = tpu.sem_alloc : memref<!tpu.dma_semaphore, #tpu.memory_space<semaphore_mem>>
        %dma_start3A = arith.constant 0 : i32
        %dma_start3A_34 = tpu.memref_slice %arg8[%mul3A_33, %dma_start3A] : memref<10000x128xf32, #tpu.memory_space<vmem_shared>> -> memref<640x128xf32, #tpu.memory_space<vmem_shared>>
        tpu.enqueue_dma source(%arg4 : memref<640x128xf32, #tpu.memory_space<hbm>>) target(%dma_start3A_34 : memref<640x128xf32, #tpu.memory_space<vmem_shared>>) target_semaphore(%run_scoped3A : memref<!tpu.dma_semaphore, #tpu.memory_space<semaphore_mem>>)
        %dma_wait3A = arith.constant 0 : i32
        %dma_wait3A_35 = tpu.memref_slice %arg8[%mul3A_33, %dma_wait3A] : memref<10000x128xf32, #tpu.memory_space<vmem_shared>> -> memref<640x128xf32, #tpu.memory_space<vmem_shared>>
        tpu.wait_dma2 semaphore(%run_scoped3A : memref<!tpu.dma_semaphore, #tpu.memory_space<semaphore_mem>>) src(%arg4 : memref<640x128xf32, #tpu.memory_space<hbm>>) dst(%dma_wait3A_35 : memref<640x128xf32, #tpu.memory_space<vmem_shared>>)
        tpu.yield
      }) : () -> ()
    } else {
    }
    %eq3A = arith.constant 15 : i32
    %eq3A_6 = arith.cmpi eq, %arg1, %eq3A : i32
    %convert_element_type3A_7 = arith.extui %eq3A_6 : i1 to i32
    %cond3A_8 = arith.constant 0 : i32
    %cond3A_9 = arith.cmpi ne, %convert_element_type3A_7, %cond3A_8 : i32
    scf.if %cond3A_9 {
      "tpu.region"() ({
        %run_scoped3A = tpu.sem_alloc : memref<!tpu.dma_semaphore, #tpu.memory_space<semaphore_mem>>
        %dma_start3A = arith.constant 9600 : i32
        %dma_start3A_32 = arith.constant 0 : i32
        %dma_start3A_33 = tpu.memref_slice %arg8[%dma_start3A, %dma_start3A_32] : memref<10000x128xf32, #tpu.memory_space<vmem_shared>> -> memref<400x128xf32, #tpu.memory_space<vmem_shared>>
        %dma_start3A_34 = arith.constant 0 : i32
        %dma_start3A_35 = arith.constant 0 : i32
        %dma_start3A_36 = tpu.memref_slice %arg4[%dma_start3A_34, %dma_start3A_35] : memref<640x128xf32, #tpu.memory_space<hbm>> -> memref<400x128xf32, #tpu.memory_space<hbm>>
        tpu.enqueue_dma source(%dma_start3A_36 : memref<400x128xf32, #tpu.memory_space<hbm>>) target(%dma_start3A_33 : memref<400x128xf32, #tpu.memory_space<vmem_shared>>) target_semaphore(%run_scoped3A : memref<!tpu.dma_semaphore, #tpu.memory_space<semaphore_mem>>)
        %dma_wait3A = arith.constant 9600 : i32
        %dma_wait3A_37 = arith.constant 0 : i32
        %dma_wait3A_38 = tpu.memref_slice %arg8[%dma_wait3A, %dma_wait3A_37] : memref<10000x128xf32, #tpu.memory_space<vmem_shared>> -> memref<400x128xf32, #tpu.memory_space<vmem_shared>>
        %dma_wait3A_39 = arith.constant 0 : i32
        %dma_wait3A_40 = arith.constant 0 : i32
        %dma_wait3A_41 = tpu.memref_slice %arg4[%dma_wait3A_39, %dma_wait3A_40] : memref<640x128xf32, #tpu.memory_space<hbm>> -> memref<400x128xf32, #tpu.memory_space<hbm>>
        tpu.wait_dma2 semaphore(%run_scoped3A : memref<!tpu.dma_semaphore, #tpu.memory_space<semaphore_mem>>) src(%dma_wait3A_41 : memref<400x128xf32, #tpu.memory_space<hbm>>) dst(%dma_wait3A_38 : memref<400x128xf32, #tpu.memory_space<vmem_shared>>)
        tpu.yield
      }) : () -> ()
    } else {
    }
    %barrier3A = arith.constant 0 : index
    tpu.barrier barrier_id(%barrier3A)
    %scan3A = arith.constant 0 : i32
    %scan3A_10 = arith.constant 0 : i32
    %scan3A_11 = arith.constant 160 : i32
    %scan3A_12 = arith.addi %scan3A_10, %scan3A_11 : i32
    %scan3A_13 = arith.constant 1 : i32
    scf.for %scan3A_32 = %scan3A_10 to %scan3A_12 step %scan3A_13  : i32 {
      %dma_start3A = arith.constant 0 : i32
      %dma_start3A_33 = tpu.memref_slice %arg6[%scan3A_32, %dma_start3A] : memref<160x125xi32, #tpu.memory_space<vmem>> -> memref<1x125xi32, #tpu.memory_space<vmem>>
      %dma_start3A_34 = tpu.memref_squeeze %dma_start3A_33 : memref<1x125xi32, #tpu.memory_space<vmem>> -> memref<125xi32, #tpu.memory_space<vmem>>
      %dma_start3A_35 = arith.constant 0 : i32
      %dma_start3A_36 = arith.constant 0 : i32
      %dma_start3A_37 = tpu.memref_slice %arg8[%dma_start3A_35, %dma_start3A_36] : memref<10000x128xf32, #tpu.memory_space<vmem_shared>> -> memref<10000x128xf32, #tpu.memory_space<vmem_shared>>
      tpu.enqueue_indirect_dma source(%arg7 : memref<125x128xf32, #tpu.memory_space<vmem>>) target(%dma_start3A_37 : memref<10000x128xf32, #tpu.memory_space<vmem_shared>>) offsets(%dma_start3A_34 : memref<125xi32, #tpu.memory_space<vmem>>) semaphore(%arg9 : memref<!tpu.dma_semaphore, #tpu.memory_space<semaphore_mem>>) {add = true}
    }
    %scan3A_14 = arith.constant 160 : i32
    %scan3A_15 = arith.constant 0 : i32
    %scan3A_16 = arith.constant 0 : i32
    %scan3A_17 = arith.constant 160 : i32
    %scan3A_18 = arith.addi %scan3A_16, %scan3A_17 : i32
    %scan3A_19 = arith.constant 1 : i32
    scf.for %scan3A_32 = %scan3A_16 to %scan3A_18 step %scan3A_19  : i32 {
      %dma_wait3A = arith.constant 0 : i32
      %dma_wait3A_33 = arith.constant 0 : i32
      %dma_wait3A_34 = tpu.memref_slice %arg6[%dma_wait3A, %dma_wait3A_33] : memref<160x125xi32, #tpu.memory_space<vmem>> -> memref<1x125xi32, #tpu.memory_space<vmem>>
      %dma_wait3A_35 = tpu.memref_squeeze %dma_wait3A_34 : memref<1x125xi32, #tpu.memory_space<vmem>> -> memref<125xi32, #tpu.memory_space<vmem>>
      %dma_wait3A_36 = arith.constant 0 : i32
      %dma_wait3A_37 = arith.constant 0 : i32
      %dma_wait3A_38 = tpu.memref_slice %arg8[%dma_wait3A_36, %dma_wait3A_37] : memref<10000x128xf32, #tpu.memory_space<vmem_shared>> -> memref<10000x128xf32, #tpu.memory_space<vmem_shared>>
      tpu.wait_indirect_dma semaphore(%arg9 : memref<!tpu.dma_semaphore, #tpu.memory_space<semaphore_mem>>) src(%arg7 : memref<125x128xf32, #tpu.memory_space<vmem>>) dst(%dma_wait3A_38 : memref<10000x128xf32, #tpu.memory_space<vmem_shared>>)
    }
    %scan3A_20 = arith.constant 160 : i32
    %barrier3A_21 = arith.constant 0 : index
    tpu.barrier barrier_id(%barrier3A_21)
    %lt3A_22 = arith.constant 15 : i32
    %lt3A_23 = arith.cmpi slt, %arg1, %lt3A_22 : i32
    %convert_element_type3A_24 = arith.extui %lt3A_23 : i1 to i32
    %cond3A_25 = arith.constant 0 : i32
    %cond3A_26 = arith.cmpi ne, %convert_element_type3A_24, %cond3A_25 : i32
    scf.if %cond3A_26 {
      %mul3A_32 = arith.constant 640 : i32
      %mul3A_33 = arith.muli %arg1, %mul3A_32 : i32
      %mul3A_34 = arith.constant 640 : i32
      %mul3A_35 = arith.muli %arg1, %mul3A_34 : i32
      "tpu.region"() ({
        %run_scoped3A = tpu.sem_alloc : memref<!tpu.dma_semaphore, #tpu.memory_space<semaphore_mem>>
        %dma_start3A = arith.constant 0 : i32
        %dma_start3A_36 = tpu.memref_slice %arg5[%arg0, %mul3A_35, %dma_start3A] : memref<2x10000x128xf32, #tpu.memory_space<hbm>> -> memref<1x640x128xf32, #tpu.memory_space<hbm>>
        %dma_start3A_37 = tpu.memref_squeeze %dma_start3A_36 : memref<1x640x128xf32, #tpu.memory_space<hbm>> -> memref<640x128xf32, #tpu.memory_space<hbm>>
        %dma_start3A_38 = arith.constant 0 : i32
        %dma_start3A_39 = tpu.memref_slice %arg8[%mul3A_33, %dma_start3A_38] : memref<10000x128xf32, #tpu.memory_space<vmem_shared>> -> memref<640x128xf32, #tpu.memory_space<vmem_shared>>
        tpu.enqueue_dma source(%dma_start3A_39 : memref<640x128xf32, #tpu.memory_space<vmem_shared>>) target(%dma_start3A_37 : memref<640x128xf32, #tpu.memory_space<hbm>>) target_semaphore(%run_scoped3A : memref<!tpu.dma_semaphore, #tpu.memory_space<semaphore_mem>>)
        %dma_wait3A = arith.constant 0 : i32
        %dma_wait3A_40 = tpu.memref_slice %arg5[%arg0, %mul3A_35, %dma_wait3A] : memref<2x10000x128xf32, #tpu.memory_space<hbm>> -> memref<1x640x128xf32, #tpu.memory_space<hbm>>
        %dma_wait3A_41 = tpu.memref_squeeze %dma_wait3A_40 : memref<1x640x128xf32, #tpu.memory_space<hbm>> -> memref<640x128xf32, #tpu.memory_space<hbm>>
        %dma_wait3A_42 = arith.constant 0 : i32
        %dma_wait3A_43 = tpu.memref_slice %arg8[%mul3A_33, %dma_wait3A_42] : memref<10000x128xf32, #tpu.memory_space<vmem_shared>> -> memref<640x128xf32, #tpu.memory_space<vmem_shared>>
        tpu.wait_dma2 semaphore(%run_scoped3A : memref<!tpu.dma_semaphore, #tpu.memory_space<semaphore_mem>>) src(%dma_wait3A_43 : memref<640x128xf32, #tpu.memory_space<vmem_shared>>) dst(%dma_wait3A_41 : memref<640x128xf32, #tpu.memory_space<hbm>>)
        tpu.yield
      }) : () -> ()
    } else {
    }
    %eq3A_27 = arith.constant 15 : i32
    %eq3A_28 = arith.cmpi eq, %arg1, %eq3A_27 : i32
    %convert_element_type3A_29 = arith.extui %eq3A_28 : i1 to i32
    %cond3A_30 = arith.constant 0 : i32
    %cond3A_31 = arith.cmpi ne, %convert_element_type3A_29, %cond3A_30 : i32
    scf.if %cond3A_31 {
      "tpu.region"() ({
        %run_scoped3A = tpu.sem_alloc : memref<!tpu.dma_semaphore, #tpu.memory_space<semaphore_mem>>
        %dma_start3A = arith.constant 9600 : i32
        %dma_start3A_32 = arith.constant 0 : i32
        %dma_start3A_33 = tpu.memref_slice %arg5[%arg0, %dma_start3A, %dma_start3A_32] : memref<2x10000x128xf32, #tpu.memory_space<hbm>> -> memref<1x400x128xf32, #tpu.memory_space<hbm>>
        %dma_start3A_34 = tpu.memref_squeeze %dma_start3A_33 : memref<1x400x128xf32, #tpu.memory_space<hbm>> -> memref<400x128xf32, #tpu.memory_space<hbm>>
        %dma_start3A_35 = arith.constant 9600 : i32
        %dma_start3A_36 = arith.constant 0 : i32
        %dma_start3A_37 = tpu.memref_slice %arg8[%dma_start3A_35, %dma_start3A_36] : memref<10000x128xf32, #tpu.memory_space<vmem_shared>> -> memref<400x128xf32, #tpu.memory_space<vmem_shared>>
        tpu.enqueue_dma source(%dma_start3A_37 : memref<400x128xf32, #tpu.memory_space<vmem_shared>>) target(%dma_start3A_34 : memref<400x128xf32, #tpu.memory_space<hbm>>) target_semaphore(%run_scoped3A : memref<!tpu.dma_semaphore, #tpu.memory_space<semaphore_mem>>)
        %dma_wait3A = arith.constant 9600 : i32
        %dma_wait3A_38 = arith.constant 0 : i32
        %dma_wait3A_39 = tpu.memref_slice %arg5[%arg0, %dma_wait3A, %dma_wait3A_38] : memref<2x10000x128xf32, #tpu.memory_space<hbm>> -> memref<1x400x128xf32, #tpu.memory_space<hbm>>
        %dma_wait3A_40 = tpu.memref_squeeze %dma_wait3A_39 : memref<1x400x128xf32, #tpu.memory_space<hbm>> -> memref<400x128xf32, #tpu.memory_space<hbm>>
        %dma_wait3A_41 = arith.constant 9600 : i32
        %dma_wait3A_42 = arith.constant 0 : i32
        %dma_wait3A_43 = tpu.memref_slice %arg8[%dma_wait3A_41, %dma_wait3A_42] : memref<10000x128xf32, #tpu.memory_space<vmem_shared>> -> memref<400x128xf32, #tpu.memory_space<vmem_shared>>
        tpu.wait_dma2 semaphore(%run_scoped3A : memref<!tpu.dma_semaphore, #tpu.memory_space<semaphore_mem>>) src(%dma_wait3A_43 : memref<400x128xf32, #tpu.memory_space<vmem_shared>>) dst(%dma_wait3A_40 : memref<400x128xf32, #tpu.memory_space<hbm>>)
        tpu.yield
      }) : () -> ()
    } else {
    }
    return
  }
}

#map = affine_map<(d0, d1) -> (0, 0)>
#map1 = affine_map<(d0, d1) -> (0, 0, 0, 0)>
#map2 = affine_map<(d0, d1) -> (0, 0, 0)>
module attributes {stable_mosaic.version = 14 : i64} {
  func.func @_agg_kernel(%arg0: i32, %arg1: i32, %arg2: memref<10000x128xf32, #tpu.memory_space<hbm>>, %arg3: memref<2x32x80x125xi32, #tpu.memory_space<hbm>>, %arg4: memref<640x128xf32, #tpu.memory_space<hbm>>, %arg5: memref<2x10000x128xf32, #tpu.memory_space<hbm>>, %arg6: memref<40x125xi32, #tpu.memory_space<vmem>>, %arg7: memref<40x125xi32, #tpu.memory_space<vmem>>, %arg8: memref<125x128xf32, #tpu.memory_space<vmem>>, %arg9: memref<125x128xf32, #tpu.memory_space<vmem>>, %arg10: memref<10000x128xf32, #tpu.memory_space<vmem_shared>>, %arg11: memref<!tpu.dma_semaphore, #tpu.memory_space<semaphore_mem>>, %arg12: memref<!tpu.dma_semaphore, #tpu.memory_space<semaphore_mem>>) attributes {dimension_semantics = [#tpu.dimension_semantics<core_parallel>, #tpu.dimension_semantics<subcore_parallel>], iteration_bounds = array<i64: 2, 16>, scalar_prefetch = 0 : i64, scratch_operands = 7 : i64, tpu.core_type = #tpu.core_type<sc_vector_subcore>, window_params = [{transform_indices = #map}, {transform_indices = #map1}, {transform_indices = #map}, {transform_indices = #map2}]} {
    %mul3A = arith.constant 16 : i32
    %mul3A_0 = arith.muli %arg0, %mul3A : i32
    %add3A = arith.addi %mul3A_0, %arg1 : i32
    %lt3A = arith.constant 15 : i32
    %lt3A_1 = arith.cmpi slt, %arg1, %lt3A : i32
    %convert_element_type3A = arith.extui %lt3A_1 : i1 to i32
    %cond3A = arith.constant 0 : i32
    %cond3A_2 = arith.cmpi ne, %convert_element_type3A, %cond3A : i32
    scf.if %cond3A_2 {
      %mul3A_45 = arith.constant 640 : i32
      %mul3A_46 = arith.muli %arg1, %mul3A_45 : i32
      "tpu.region"() ({
        %run_scoped3A_47 = tpu.sem_alloc : memref<!tpu.dma_semaphore, #tpu.memory_space<semaphore_mem>>
        %dma_start3A_48 = arith.constant 0 : i32
        %dma_start3A_49 = tpu.memref_slice %arg10[%mul3A_46, %dma_start3A_48] : memref<10000x128xf32, #tpu.memory_space<vmem_shared>> -> memref<640x128xf32, #tpu.memory_space<vmem_shared>>
        tpu.enqueue_dma source(%arg4 : memref<640x128xf32, #tpu.memory_space<hbm>>) target(%dma_start3A_49 : memref<640x128xf32, #tpu.memory_space<vmem_shared>>) target_semaphore(%run_scoped3A_47 : memref<!tpu.dma_semaphore, #tpu.memory_space<semaphore_mem>>)
        %dma_wait3A = arith.constant 0 : i32
        %dma_wait3A_50 = tpu.memref_slice %arg10[%mul3A_46, %dma_wait3A] : memref<10000x128xf32, #tpu.memory_space<vmem_shared>> -> memref<640x128xf32, #tpu.memory_space<vmem_shared>>
        tpu.wait_dma2 semaphore(%run_scoped3A_47 : memref<!tpu.dma_semaphore, #tpu.memory_space<semaphore_mem>>) src(%arg4 : memref<640x128xf32, #tpu.memory_space<hbm>>) dst(%dma_wait3A_50 : memref<640x128xf32, #tpu.memory_space<vmem_shared>>)
        tpu.yield
      }) : () -> ()
    } else {
    }
    %eq3A = arith.constant 15 : i32
    %eq3A_3 = arith.cmpi eq, %arg1, %eq3A : i32
    %convert_element_type3A_4 = arith.extui %eq3A_3 : i1 to i32
    %cond3A_5 = arith.constant 0 : i32
    %cond3A_6 = arith.cmpi ne, %convert_element_type3A_4, %cond3A_5 : i32
    scf.if %cond3A_6 {
      "tpu.region"() ({
        %run_scoped3A_45 = tpu.sem_alloc : memref<!tpu.dma_semaphore, #tpu.memory_space<semaphore_mem>>
        %dma_start3A_46 = arith.constant 9600 : i32
        %dma_start3A_47 = arith.constant 0 : i32
        %dma_start3A_48 = tpu.memref_slice %arg10[%dma_start3A_46, %dma_start3A_47] : memref<10000x128xf32, #tpu.memory_space<vmem_shared>> -> memref<400x128xf32, #tpu.memory_space<vmem_shared>>
        %dma_start3A_49 = arith.constant 0 : i32
        %dma_start3A_50 = arith.constant 0 : i32
        %dma_start3A_51 = tpu.memref_slice %arg4[%dma_start3A_49, %dma_start3A_50] : memref<640x128xf32, #tpu.memory_space<hbm>> -> memref<400x128xf32, #tpu.memory_space<hbm>>
        tpu.enqueue_dma source(%dma_start3A_51 : memref<400x128xf32, #tpu.memory_space<hbm>>) target(%dma_start3A_48 : memref<400x128xf32, #tpu.memory_space<vmem_shared>>) target_semaphore(%run_scoped3A_45 : memref<!tpu.dma_semaphore, #tpu.memory_space<semaphore_mem>>)
        %dma_wait3A = arith.constant 9600 : i32
        %dma_wait3A_52 = arith.constant 0 : i32
        %dma_wait3A_53 = tpu.memref_slice %arg10[%dma_wait3A, %dma_wait3A_52] : memref<10000x128xf32, #tpu.memory_space<vmem_shared>> -> memref<400x128xf32, #tpu.memory_space<vmem_shared>>
        %dma_wait3A_54 = arith.constant 0 : i32
        %dma_wait3A_55 = arith.constant 0 : i32
        %dma_wait3A_56 = tpu.memref_slice %arg4[%dma_wait3A_54, %dma_wait3A_55] : memref<640x128xf32, #tpu.memory_space<hbm>> -> memref<400x128xf32, #tpu.memory_space<hbm>>
        tpu.wait_dma2 semaphore(%run_scoped3A_45 : memref<!tpu.dma_semaphore, #tpu.memory_space<semaphore_mem>>) src(%dma_wait3A_56 : memref<400x128xf32, #tpu.memory_space<hbm>>) dst(%dma_wait3A_53 : memref<400x128xf32, #tpu.memory_space<vmem_shared>>)
        tpu.yield
      }) : () -> ()
    } else {
    }
    %barrier3A = arith.constant 0 : index
    tpu.barrier barrier_id(%barrier3A)
    %run_scoped3A = arith.constant 0 : i32
    "tpu.region"() ({
      %run_scoped3A_45 = tpu.sem_alloc : memref<!tpu.dma_semaphore, #tpu.memory_space<semaphore_mem>>
      %dma_start3A_46 = arith.constant 0 : i32
      %dma_start3A_47 = arith.constant 0 : i32
      %dma_start3A_48 = tpu.memref_slice %arg3[%run_scoped3A, %add3A, %dma_start3A_46, %dma_start3A_47] : memref<2x32x80x125xi32, #tpu.memory_space<hbm>> -> memref<1x1x40x125xi32, #tpu.memory_space<hbm>>
      %dma_start3A_49 = tpu.memref_squeeze %dma_start3A_48 : memref<1x1x40x125xi32, #tpu.memory_space<hbm>> -> memref<40x125xi32, #tpu.memory_space<hbm>>
      %dma_start3A_50 = arith.constant 0 : i32
      %dma_start3A_51 = arith.constant 0 : i32
      %dma_start3A_52 = tpu.memref_slice %arg3[%run_scoped3A, %add3A, %dma_start3A_50, %dma_start3A_51] : memref<2x32x80x125xi32, #tpu.memory_space<hbm>> -> memref<1x1x40x125xi32, #tpu.memory_space<hbm>>
      %dma_start3A_53 = tpu.memref_squeeze %dma_start3A_52 : memref<1x1x40x125xi32, #tpu.memory_space<hbm>> -> memref<40x125xi32, #tpu.memory_space<hbm>>
      tpu.enqueue_dma source(%dma_start3A_53 : memref<40x125xi32, #tpu.memory_space<hbm>>) target(%arg6 : memref<40x125xi32, #tpu.memory_space<vmem>>) target_semaphore(%run_scoped3A_45 : memref<!tpu.dma_semaphore, #tpu.memory_space<semaphore_mem>>)
      %dma_wait3A = arith.constant 0 : i32
      %dma_wait3A_54 = arith.constant 0 : i32
      %dma_wait3A_55 = tpu.memref_slice %arg3[%run_scoped3A, %add3A, %dma_wait3A, %dma_wait3A_54] : memref<2x32x80x125xi32, #tpu.memory_space<hbm>> -> memref<1x1x40x125xi32, #tpu.memory_space<hbm>>
      %dma_wait3A_56 = tpu.memref_squeeze %dma_wait3A_55 : memref<1x1x40x125xi32, #tpu.memory_space<hbm>> -> memref<40x125xi32, #tpu.memory_space<hbm>>
      %dma_wait3A_57 = arith.constant 0 : i32
      %dma_wait3A_58 = arith.constant 0 : i32
      %dma_wait3A_59 = tpu.memref_slice %arg3[%run_scoped3A, %add3A, %dma_wait3A_57, %dma_wait3A_58] : memref<2x32x80x125xi32, #tpu.memory_space<hbm>> -> memref<1x1x40x125xi32, #tpu.memory_space<hbm>>
      %dma_wait3A_60 = tpu.memref_squeeze %dma_wait3A_59 : memref<1x1x40x125xi32, #tpu.memory_space<hbm>> -> memref<40x125xi32, #tpu.memory_space<hbm>>
      tpu.wait_dma2 semaphore(%run_scoped3A_45 : memref<!tpu.dma_semaphore, #tpu.memory_space<semaphore_mem>>) src(%dma_wait3A_60 : memref<40x125xi32, #tpu.memory_space<hbm>>) dst(%arg6 : memref<40x125xi32, #tpu.memory_space<vmem>>)
      tpu.yield
    }) : () -> ()
    %run_scoped3A_7 = arith.constant 1 : i32
    "tpu.region"() ({
      %run_scoped3A_45 = tpu.sem_alloc : memref<!tpu.dma_semaphore, #tpu.memory_space<semaphore_mem>>
      %dma_start3A_46 = arith.constant 0 : i32
      %dma_start3A_47 = arith.constant 0 : i32
      %dma_start3A_48 = tpu.memref_slice %arg3[%run_scoped3A_7, %add3A, %dma_start3A_46, %dma_start3A_47] : memref<2x32x80x125xi32, #tpu.memory_space<hbm>> -> memref<1x1x40x125xi32, #tpu.memory_space<hbm>>
      %dma_start3A_49 = tpu.memref_squeeze %dma_start3A_48 : memref<1x1x40x125xi32, #tpu.memory_space<hbm>> -> memref<40x125xi32, #tpu.memory_space<hbm>>
      %dma_start3A_50 = arith.constant 0 : i32
      %dma_start3A_51 = arith.constant 0 : i32
      %dma_start3A_52 = tpu.memref_slice %arg3[%run_scoped3A_7, %add3A, %dma_start3A_50, %dma_start3A_51] : memref<2x32x80x125xi32, #tpu.memory_space<hbm>> -> memref<1x1x40x125xi32, #tpu.memory_space<hbm>>
      %dma_start3A_53 = tpu.memref_squeeze %dma_start3A_52 : memref<1x1x40x125xi32, #tpu.memory_space<hbm>> -> memref<40x125xi32, #tpu.memory_space<hbm>>
      tpu.enqueue_dma source(%dma_start3A_53 : memref<40x125xi32, #tpu.memory_space<hbm>>) target(%arg7 : memref<40x125xi32, #tpu.memory_space<vmem>>) target_semaphore(%run_scoped3A_45 : memref<!tpu.dma_semaphore, #tpu.memory_space<semaphore_mem>>)
      %dma_wait3A = arith.constant 0 : i32
      %dma_wait3A_54 = arith.constant 0 : i32
      %dma_wait3A_55 = tpu.memref_slice %arg3[%run_scoped3A_7, %add3A, %dma_wait3A, %dma_wait3A_54] : memref<2x32x80x125xi32, #tpu.memory_space<hbm>> -> memref<1x1x40x125xi32, #tpu.memory_space<hbm>>
      %dma_wait3A_56 = tpu.memref_squeeze %dma_wait3A_55 : memref<1x1x40x125xi32, #tpu.memory_space<hbm>> -> memref<40x125xi32, #tpu.memory_space<hbm>>
      %dma_wait3A_57 = arith.constant 0 : i32
      %dma_wait3A_58 = arith.constant 0 : i32
      %dma_wait3A_59 = tpu.memref_slice %arg3[%run_scoped3A_7, %add3A, %dma_wait3A_57, %dma_wait3A_58] : memref<2x32x80x125xi32, #tpu.memory_space<hbm>> -> memref<1x1x40x125xi32, #tpu.memory_space<hbm>>
      %dma_wait3A_60 = tpu.memref_squeeze %dma_wait3A_59 : memref<1x1x40x125xi32, #tpu.memory_space<hbm>> -> memref<40x125xi32, #tpu.memory_space<hbm>>
      tpu.wait_dma2 semaphore(%run_scoped3A_45 : memref<!tpu.dma_semaphore, #tpu.memory_space<semaphore_mem>>) src(%dma_wait3A_60 : memref<40x125xi32, #tpu.memory_space<hbm>>) dst(%arg7 : memref<40x125xi32, #tpu.memory_space<vmem>>)
      tpu.yield
    }) : () -> ()
    %dma_start3A = arith.constant 0 : i32
    %dma_start3A_8 = arith.constant 0 : i32
    %dma_start3A_9 = tpu.memref_slice %arg6[%dma_start3A, %dma_start3A_8] : memref<40x125xi32, #tpu.memory_space<vmem>> -> memref<1x125xi32, #tpu.memory_space<vmem>>
    %dma_start3A_10 = tpu.memref_squeeze %dma_start3A_9 : memref<1x125xi32, #tpu.memory_space<vmem>> -> memref<125xi32, #tpu.memory_space<vmem>>
    %dma_start3A_11 = arith.constant 0 : i32
    %dma_start3A_12 = arith.constant 0 : i32
    %dma_start3A_13 = tpu.memref_slice %arg2[%dma_start3A_11, %dma_start3A_12] : memref<10000x128xf32, #tpu.memory_space<hbm>> -> memref<10000x128xf32, #tpu.memory_space<hbm>>
    tpu.enqueue_indirect_dma source(%dma_start3A_13 : memref<10000x128xf32, #tpu.memory_space<hbm>>) target(%arg8 : memref<125x128xf32, #tpu.memory_space<vmem>>) offsets(%dma_start3A_10 : memref<125xi32, #tpu.memory_space<vmem>>) semaphore(%arg11 : memref<!tpu.dma_semaphore, #tpu.memory_space<semaphore_mem>>)
    %scan3A = arith.constant 0 : i32
    %scan3A_14 = arith.constant 0 : i32
    %scan3A_15 = arith.constant 20 : i32
    %scan3A_16 = arith.addi %scan3A_14, %scan3A_15 : i32
    %scan3A_17 = arith.constant 1 : i32
    scf.for %scan3A_45 = %scan3A_14 to %scan3A_16 step %scan3A_17  : i32 {
      %mul3A_46 = arith.constant 2 : i32
      %mul3A_47 = arith.muli %mul3A_46, %scan3A_45 : i32
      %add3A_48 = arith.constant 1 : i32
      %add3A_49 = arith.addi %mul3A_47, %add3A_48 : i32
      %dma_start3A_50 = arith.constant 0 : i32
      %dma_start3A_51 = tpu.memref_slice %arg6[%add3A_49, %dma_start3A_50] : memref<40x125xi32, #tpu.memory_space<vmem>> -> memref<1x125xi32, #tpu.memory_space<vmem>>
      %dma_start3A_52 = tpu.memref_squeeze %dma_start3A_51 : memref<1x125xi32, #tpu.memory_space<vmem>> -> memref<125xi32, #tpu.memory_space<vmem>>
      %dma_start3A_53 = arith.constant 0 : i32
      %dma_start3A_54 = arith.constant 0 : i32
      %dma_start3A_55 = tpu.memref_slice %arg2[%dma_start3A_53, %dma_start3A_54] : memref<10000x128xf32, #tpu.memory_space<hbm>> -> memref<10000x128xf32, #tpu.memory_space<hbm>>
      tpu.enqueue_indirect_dma source(%dma_start3A_55 : memref<10000x128xf32, #tpu.memory_space<hbm>>) target(%arg9 : memref<125x128xf32, #tpu.memory_space<vmem>>) offsets(%dma_start3A_52 : memref<125xi32, #tpu.memory_space<vmem>>) semaphore(%arg12 : memref<!tpu.dma_semaphore, #tpu.memory_space<semaphore_mem>>)
      %dma_wait3A = arith.constant 0 : i32
      %dma_wait3A_56 = tpu.memref_slice %arg6[%mul3A_47, %dma_wait3A] : memref<40x125xi32, #tpu.memory_space<vmem>> -> memref<1x125xi32, #tpu.memory_space<vmem>>
      %dma_wait3A_57 = tpu.memref_squeeze %dma_wait3A_56 : memref<1x125xi32, #tpu.memory_space<vmem>> -> memref<125xi32, #tpu.memory_space<vmem>>
      %dma_wait3A_58 = arith.constant 0 : i32
      %dma_wait3A_59 = arith.constant 0 : i32
      %dma_wait3A_60 = tpu.memref_slice %arg2[%dma_wait3A_58, %dma_wait3A_59] : memref<10000x128xf32, #tpu.memory_space<hbm>> -> memref<10000x128xf32, #tpu.memory_space<hbm>>
      tpu.wait_indirect_dma semaphore(%arg11 : memref<!tpu.dma_semaphore, #tpu.memory_space<semaphore_mem>>) src(%dma_wait3A_60 : memref<10000x128xf32, #tpu.memory_space<hbm>>) dst(%arg8 : memref<125x128xf32, #tpu.memory_space<vmem>>)
      "tpu.region"() ({
        %run_scoped3A_72 = tpu.sem_alloc : memref<!tpu.dma_semaphore, #tpu.memory_space<semaphore_mem>>
        %dma_start3A_73 = arith.constant 0 : i32
        %dma_start3A_74 = tpu.memref_slice %arg7[%mul3A_47, %dma_start3A_73] : memref<40x125xi32, #tpu.memory_space<vmem>> -> memref<1x125xi32, #tpu.memory_space<vmem>>
        %dma_start3A_75 = tpu.memref_squeeze %dma_start3A_74 : memref<1x125xi32, #tpu.memory_space<vmem>> -> memref<125xi32, #tpu.memory_space<vmem>>
        %dma_start3A_76 = arith.constant 0 : i32
        %dma_start3A_77 = arith.constant 0 : i32
        %dma_start3A_78 = tpu.memref_slice %arg10[%dma_start3A_76, %dma_start3A_77] : memref<10000x128xf32, #tpu.memory_space<vmem_shared>> -> memref<10000x128xf32, #tpu.memory_space<vmem_shared>>
        tpu.enqueue_indirect_dma source(%arg8 : memref<125x128xf32, #tpu.memory_space<vmem>>) target(%dma_start3A_78 : memref<10000x128xf32, #tpu.memory_space<vmem_shared>>) offsets(%dma_start3A_75 : memref<125xi32, #tpu.memory_space<vmem>>) semaphore(%run_scoped3A_72 : memref<!tpu.dma_semaphore, #tpu.memory_space<semaphore_mem>>) {add = true}
        %dma_wait3A_79 = arith.constant 0 : i32
        %dma_wait3A_80 = tpu.memref_slice %arg7[%mul3A_47, %dma_wait3A_79] : memref<40x125xi32, #tpu.memory_space<vmem>> -> memref<1x125xi32, #tpu.memory_space<vmem>>
        %dma_wait3A_81 = tpu.memref_squeeze %dma_wait3A_80 : memref<1x125xi32, #tpu.memory_space<vmem>> -> memref<125xi32, #tpu.memory_space<vmem>>
        %dma_wait3A_82 = arith.constant 0 : i32
        %dma_wait3A_83 = arith.constant 0 : i32
        %dma_wait3A_84 = tpu.memref_slice %arg10[%dma_wait3A_82, %dma_wait3A_83] : memref<10000x128xf32, #tpu.memory_space<vmem_shared>> -> memref<10000x128xf32, #tpu.memory_space<vmem_shared>>
        tpu.wait_indirect_dma semaphore(%run_scoped3A_72 : memref<!tpu.dma_semaphore, #tpu.memory_space<semaphore_mem>>) src(%arg8 : memref<125x128xf32, #tpu.memory_space<vmem>>) dst(%dma_wait3A_84 : memref<10000x128xf32, #tpu.memory_space<vmem_shared>>)
        tpu.yield
      }) : () -> ()
      %lt3A_61 = arith.constant 19 : i32
      %lt3A_62 = arith.cmpi slt, %scan3A_45, %lt3A_61 : i32
      %convert_element_type3A_63 = arith.extui %lt3A_62 : i1 to i32
      %cond3A_64 = arith.constant 0 : i32
      %cond3A_65 = arith.cmpi ne, %convert_element_type3A_63, %cond3A_64 : i32
      scf.if %cond3A_65 {
        %add3A_72 = arith.constant 2 : i32
        %add3A_73 = arith.addi %mul3A_47, %add3A_72 : i32
        %dma_start3A_74 = arith.constant 0 : i32
        %dma_start3A_75 = tpu.memref_slice %arg6[%add3A_73, %dma_start3A_74] : memref<40x125xi32, #tpu.memory_space<vmem>> -> memref<1x125xi32, #tpu.memory_space<vmem>>
        %dma_start3A_76 = tpu.memref_squeeze %dma_start3A_75 : memref<1x125xi32, #tpu.memory_space<vmem>> -> memref<125xi32, #tpu.memory_space<vmem>>
        %dma_start3A_77 = arith.constant 0 : i32
        %dma_start3A_78 = arith.constant 0 : i32
        %dma_start3A_79 = tpu.memref_slice %arg2[%dma_start3A_77, %dma_start3A_78] : memref<10000x128xf32, #tpu.memory_space<hbm>> -> memref<10000x128xf32, #tpu.memory_space<hbm>>
        tpu.enqueue_indirect_dma source(%dma_start3A_79 : memref<10000x128xf32, #tpu.memory_space<hbm>>) target(%arg8 : memref<125x128xf32, #tpu.memory_space<vmem>>) offsets(%dma_start3A_76 : memref<125xi32, #tpu.memory_space<vmem>>) semaphore(%arg11 : memref<!tpu.dma_semaphore, #tpu.memory_space<semaphore_mem>>)
      } else {
      }
      %dma_wait3A_66 = arith.constant 0 : i32
      %dma_wait3A_67 = tpu.memref_slice %arg6[%add3A_49, %dma_wait3A_66] : memref<40x125xi32, #tpu.memory_space<vmem>> -> memref<1x125xi32, #tpu.memory_space<vmem>>
      %dma_wait3A_68 = tpu.memref_squeeze %dma_wait3A_67 : memref<1x125xi32, #tpu.memory_space<vmem>> -> memref<125xi32, #tpu.memory_space<vmem>>
      %dma_wait3A_69 = arith.constant 0 : i32
      %dma_wait3A_70 = arith.constant 0 : i32
      %dma_wait3A_71 = tpu.memref_slice %arg2[%dma_wait3A_69, %dma_wait3A_70] : memref<10000x128xf32, #tpu.memory_space<hbm>> -> memref<10000x128xf32, #tpu.memory_space<hbm>>
      tpu.wait_indirect_dma semaphore(%arg12 : memref<!tpu.dma_semaphore, #tpu.memory_space<semaphore_mem>>) src(%dma_wait3A_71 : memref<10000x128xf32, #tpu.memory_space<hbm>>) dst(%arg9 : memref<125x128xf32, #tpu.memory_space<vmem>>)
      "tpu.region"() ({
        %run_scoped3A_72 = tpu.sem_alloc : memref<!tpu.dma_semaphore, #tpu.memory_space<semaphore_mem>>
        %dma_start3A_73 = arith.constant 0 : i32
        %dma_start3A_74 = tpu.memref_slice %arg7[%add3A_49, %dma_start3A_73] : memref<40x125xi32, #tpu.memory_space<vmem>> -> memref<1x125xi32, #tpu.memory_space<vmem>>
        %dma_start3A_75 = tpu.memref_squeeze %dma_start3A_74 : memref<1x125xi32, #tpu.memory_space<vmem>> -> memref<125xi32, #tpu.memory_space<vmem>>
        %dma_start3A_76 = arith.constant 0 : i32
        %dma_start3A_77 = arith.constant 0 : i32
        %dma_start3A_78 = tpu.memref_slice %arg10[%dma_start3A_76, %dma_start3A_77] : memref<10000x128xf32, #tpu.memory_space<vmem_shared>> -> memref<10000x128xf32, #tpu.memory_space<vmem_shared>>
        tpu.enqueue_indirect_dma source(%arg9 : memref<125x128xf32, #tpu.memory_space<vmem>>) target(%dma_start3A_78 : memref<10000x128xf32, #tpu.memory_space<vmem_shared>>) offsets(%dma_start3A_75 : memref<125xi32, #tpu.memory_space<vmem>>) semaphore(%run_scoped3A_72 : memref<!tpu.dma_semaphore, #tpu.memory_space<semaphore_mem>>) {add = true}
        %dma_wait3A_79 = arith.constant 0 : i32
        %dma_wait3A_80 = tpu.memref_slice %arg7[%add3A_49, %dma_wait3A_79] : memref<40x125xi32, #tpu.memory_space<vmem>> -> memref<1x125xi32, #tpu.memory_space<vmem>>
        %dma_wait3A_81 = tpu.memref_squeeze %dma_wait3A_80 : memref<1x125xi32, #tpu.memory_space<vmem>> -> memref<125xi32, #tpu.memory_space<vmem>>
        %dma_wait3A_82 = arith.constant 0 : i32
        %dma_wait3A_83 = arith.constant 0 : i32
        %dma_wait3A_84 = tpu.memref_slice %arg10[%dma_wait3A_82, %dma_wait3A_83] : memref<10000x128xf32, #tpu.memory_space<vmem_shared>> -> memref<10000x128xf32, #tpu.memory_space<vmem_shared>>
        tpu.wait_indirect_dma semaphore(%run_scoped3A_72 : memref<!tpu.dma_semaphore, #tpu.memory_space<semaphore_mem>>) src(%arg9 : memref<125x128xf32, #tpu.memory_space<vmem>>) dst(%dma_wait3A_84 : memref<10000x128xf32, #tpu.memory_space<vmem_shared>>)
        tpu.yield
      }) : () -> ()
    }
    %scan3A_18 = arith.constant 20 : i32
    %run_scoped3A_19 = arith.constant 0 : i32
    "tpu.region"() ({
      %run_scoped3A_45 = tpu.sem_alloc : memref<!tpu.dma_semaphore, #tpu.memory_space<semaphore_mem>>
      %dma_start3A_46 = arith.constant 40 : i32
      %dma_start3A_47 = arith.constant 0 : i32
      %dma_start3A_48 = tpu.memref_slice %arg3[%run_scoped3A_19, %add3A, %dma_start3A_46, %dma_start3A_47] : memref<2x32x80x125xi32, #tpu.memory_space<hbm>> -> memref<1x1x40x125xi32, #tpu.memory_space<hbm>>
      %dma_start3A_49 = tpu.memref_squeeze %dma_start3A_48 : memref<1x1x40x125xi32, #tpu.memory_space<hbm>> -> memref<40x125xi32, #tpu.memory_space<hbm>>
      %dma_start3A_50 = arith.constant 40 : i32
      %dma_start3A_51 = arith.constant 0 : i32
      %dma_start3A_52 = tpu.memref_slice %arg3[%run_scoped3A_19, %add3A, %dma_start3A_50, %dma_start3A_51] : memref<2x32x80x125xi32, #tpu.memory_space<hbm>> -> memref<1x1x40x125xi32, #tpu.memory_space<hbm>>
      %dma_start3A_53 = tpu.memref_squeeze %dma_start3A_52 : memref<1x1x40x125xi32, #tpu.memory_space<hbm>> -> memref<40x125xi32, #tpu.memory_space<hbm>>
      tpu.enqueue_dma source(%dma_start3A_53 : memref<40x125xi32, #tpu.memory_space<hbm>>) target(%arg6 : memref<40x125xi32, #tpu.memory_space<vmem>>) target_semaphore(%run_scoped3A_45 : memref<!tpu.dma_semaphore, #tpu.memory_space<semaphore_mem>>)
      %dma_wait3A = arith.constant 40 : i32
      %dma_wait3A_54 = arith.constant 0 : i32
      %dma_wait3A_55 = tpu.memref_slice %arg3[%run_scoped3A_19, %add3A, %dma_wait3A, %dma_wait3A_54] : memref<2x32x80x125xi32, #tpu.memory_space<hbm>> -> memref<1x1x40x125xi32, #tpu.memory_space<hbm>>
      %dma_wait3A_56 = tpu.memref_squeeze %dma_wait3A_55 : memref<1x1x40x125xi32, #tpu.memory_space<hbm>> -> memref<40x125xi32, #tpu.memory_space<hbm>>
      %dma_wait3A_57 = arith.constant 40 : i32
      %dma_wait3A_58 = arith.constant 0 : i32
      %dma_wait3A_59 = tpu.memref_slice %arg3[%run_scoped3A_19, %add3A, %dma_wait3A_57, %dma_wait3A_58] : memref<2x32x80x125xi32, #tpu.memory_space<hbm>> -> memref<1x1x40x125xi32, #tpu.memory_space<hbm>>
      %dma_wait3A_60 = tpu.memref_squeeze %dma_wait3A_59 : memref<1x1x40x125xi32, #tpu.memory_space<hbm>> -> memref<40x125xi32, #tpu.memory_space<hbm>>
      tpu.wait_dma2 semaphore(%run_scoped3A_45 : memref<!tpu.dma_semaphore, #tpu.memory_space<semaphore_mem>>) src(%dma_wait3A_60 : memref<40x125xi32, #tpu.memory_space<hbm>>) dst(%arg6 : memref<40x125xi32, #tpu.memory_space<vmem>>)
      tpu.yield
    }) : () -> ()
    %run_scoped3A_20 = arith.constant 1 : i32
    "tpu.region"() ({
      %run_scoped3A_45 = tpu.sem_alloc : memref<!tpu.dma_semaphore, #tpu.memory_space<semaphore_mem>>
      %dma_start3A_46 = arith.constant 40 : i32
      %dma_start3A_47 = arith.constant 0 : i32
      %dma_start3A_48 = tpu.memref_slice %arg3[%run_scoped3A_20, %add3A, %dma_start3A_46, %dma_start3A_47] : memref<2x32x80x125xi32, #tpu.memory_space<hbm>> -> memref<1x1x40x125xi32, #tpu.memory_space<hbm>>
      %dma_start3A_49 = tpu.memref_squeeze %dma_start3A_48 : memref<1x1x40x125xi32, #tpu.memory_space<hbm>> -> memref<40x125xi32, #tpu.memory_space<hbm>>
      %dma_start3A_50 = arith.constant 40 : i32
      %dma_start3A_51 = arith.constant 0 : i32
      %dma_start3A_52 = tpu.memref_slice %arg3[%run_scoped3A_20, %add3A, %dma_start3A_50, %dma_start3A_51] : memref<2x32x80x125xi32, #tpu.memory_space<hbm>> -> memref<1x1x40x125xi32, #tpu.memory_space<hbm>>
      %dma_start3A_53 = tpu.memref_squeeze %dma_start3A_52 : memref<1x1x40x125xi32, #tpu.memory_space<hbm>> -> memref<40x125xi32, #tpu.memory_space<hbm>>
      tpu.enqueue_dma source(%dma_start3A_53 : memref<40x125xi32, #tpu.memory_space<hbm>>) target(%arg7 : memref<40x125xi32, #tpu.memory_space<vmem>>) target_semaphore(%run_scoped3A_45 : memref<!tpu.dma_semaphore, #tpu.memory_space<semaphore_mem>>)
      %dma_wait3A = arith.constant 40 : i32
      %dma_wait3A_54 = arith.constant 0 : i32
      %dma_wait3A_55 = tpu.memref_slice %arg3[%run_scoped3A_20, %add3A, %dma_wait3A, %dma_wait3A_54] : memref<2x32x80x125xi32, #tpu.memory_space<hbm>> -> memref<1x1x40x125xi32, #tpu.memory_space<hbm>>
      %dma_wait3A_56 = tpu.memref_squeeze %dma_wait3A_55 : memref<1x1x40x125xi32, #tpu.memory_space<hbm>> -> memref<40x125xi32, #tpu.memory_space<hbm>>
      %dma_wait3A_57 = arith.constant 40 : i32
      %dma_wait3A_58 = arith.constant 0 : i32
      %dma_wait3A_59 = tpu.memref_slice %arg3[%run_scoped3A_20, %add3A, %dma_wait3A_57, %dma_wait3A_58] : memref<2x32x80x125xi32, #tpu.memory_space<hbm>> -> memref<1x1x40x125xi32, #tpu.memory_space<hbm>>
      %dma_wait3A_60 = tpu.memref_squeeze %dma_wait3A_59 : memref<1x1x40x125xi32, #tpu.memory_space<hbm>> -> memref<40x125xi32, #tpu.memory_space<hbm>>
      tpu.wait_dma2 semaphore(%run_scoped3A_45 : memref<!tpu.dma_semaphore, #tpu.memory_space<semaphore_mem>>) src(%dma_wait3A_60 : memref<40x125xi32, #tpu.memory_space<hbm>>) dst(%arg7 : memref<40x125xi32, #tpu.memory_space<vmem>>)
      tpu.yield
    }) : () -> ()
    %dma_start3A_21 = arith.constant 0 : i32
    %dma_start3A_22 = arith.constant 0 : i32
    %dma_start3A_23 = tpu.memref_slice %arg6[%dma_start3A_21, %dma_start3A_22] : memref<40x125xi32, #tpu.memory_space<vmem>> -> memref<1x125xi32, #tpu.memory_space<vmem>>
    %dma_start3A_24 = tpu.memref_squeeze %dma_start3A_23 : memref<1x125xi32, #tpu.memory_space<vmem>> -> memref<125xi32, #tpu.memory_space<vmem>>
    %dma_start3A_25 = arith.constant 0 : i32
    %dma_start3A_26 = arith.constant 0 : i32
    %dma_start3A_27 = tpu.memref_slice %arg2[%dma_start3A_25, %dma_start3A_26] : memref<10000x128xf32, #tpu.memory_space<hbm>> -> memref<10000x128xf32, #tpu.memory_space<hbm>>
    tpu.enqueue_indirect_dma source(%dma_start3A_27 : memref<10000x128xf32, #tpu.memory_space<hbm>>) target(%arg8 : memref<125x128xf32, #tpu.memory_space<vmem>>) offsets(%dma_start3A_24 : memref<125xi32, #tpu.memory_space<vmem>>) semaphore(%arg11 : memref<!tpu.dma_semaphore, #tpu.memory_space<semaphore_mem>>)
    %scan3A_28 = arith.constant 0 : i32
    %scan3A_29 = arith.constant 0 : i32
    %scan3A_30 = arith.constant 20 : i32
    %scan3A_31 = arith.addi %scan3A_29, %scan3A_30 : i32
    %scan3A_32 = arith.constant 1 : i32
    scf.for %scan3A_45 = %scan3A_29 to %scan3A_31 step %scan3A_32  : i32 {
      %mul3A_46 = arith.constant 2 : i32
      %mul3A_47 = arith.muli %mul3A_46, %scan3A_45 : i32
      %add3A_48 = arith.constant 1 : i32
      %add3A_49 = arith.addi %mul3A_47, %add3A_48 : i32
      %dma_start3A_50 = arith.constant 0 : i32
      %dma_start3A_51 = tpu.memref_slice %arg6[%add3A_49, %dma_start3A_50] : memref<40x125xi32, #tpu.memory_space<vmem>> -> memref<1x125xi32, #tpu.memory_space<vmem>>
      %dma_start3A_52 = tpu.memref_squeeze %dma_start3A_51 : memref<1x125xi32, #tpu.memory_space<vmem>> -> memref<125xi32, #tpu.memory_space<vmem>>
      %dma_start3A_53 = arith.constant 0 : i32
      %dma_start3A_54 = arith.constant 0 : i32
      %dma_start3A_55 = tpu.memref_slice %arg2[%dma_start3A_53, %dma_start3A_54] : memref<10000x128xf32, #tpu.memory_space<hbm>> -> memref<10000x128xf32, #tpu.memory_space<hbm>>
      tpu.enqueue_indirect_dma source(%dma_start3A_55 : memref<10000x128xf32, #tpu.memory_space<hbm>>) target(%arg9 : memref<125x128xf32, #tpu.memory_space<vmem>>) offsets(%dma_start3A_52 : memref<125xi32, #tpu.memory_space<vmem>>) semaphore(%arg12 : memref<!tpu.dma_semaphore, #tpu.memory_space<semaphore_mem>>)
      %dma_wait3A = arith.constant 0 : i32
      %dma_wait3A_56 = tpu.memref_slice %arg6[%mul3A_47, %dma_wait3A] : memref<40x125xi32, #tpu.memory_space<vmem>> -> memref<1x125xi32, #tpu.memory_space<vmem>>
      %dma_wait3A_57 = tpu.memref_squeeze %dma_wait3A_56 : memref<1x125xi32, #tpu.memory_space<vmem>> -> memref<125xi32, #tpu.memory_space<vmem>>
      %dma_wait3A_58 = arith.constant 0 : i32
      %dma_wait3A_59 = arith.constant 0 : i32
      %dma_wait3A_60 = tpu.memref_slice %arg2[%dma_wait3A_58, %dma_wait3A_59] : memref<10000x128xf32, #tpu.memory_space<hbm>> -> memref<10000x128xf32, #tpu.memory_space<hbm>>
      tpu.wait_indirect_dma semaphore(%arg11 : memref<!tpu.dma_semaphore, #tpu.memory_space<semaphore_mem>>) src(%dma_wait3A_60 : memref<10000x128xf32, #tpu.memory_space<hbm>>) dst(%arg8 : memref<125x128xf32, #tpu.memory_space<vmem>>)
      "tpu.region"() ({
        %run_scoped3A_72 = tpu.sem_alloc : memref<!tpu.dma_semaphore, #tpu.memory_space<semaphore_mem>>
        %dma_start3A_73 = arith.constant 0 : i32
        %dma_start3A_74 = tpu.memref_slice %arg7[%mul3A_47, %dma_start3A_73] : memref<40x125xi32, #tpu.memory_space<vmem>> -> memref<1x125xi32, #tpu.memory_space<vmem>>
        %dma_start3A_75 = tpu.memref_squeeze %dma_start3A_74 : memref<1x125xi32, #tpu.memory_space<vmem>> -> memref<125xi32, #tpu.memory_space<vmem>>
        %dma_start3A_76 = arith.constant 0 : i32
        %dma_start3A_77 = arith.constant 0 : i32
        %dma_start3A_78 = tpu.memref_slice %arg10[%dma_start3A_76, %dma_start3A_77] : memref<10000x128xf32, #tpu.memory_space<vmem_shared>> -> memref<10000x128xf32, #tpu.memory_space<vmem_shared>>
        tpu.enqueue_indirect_dma source(%arg8 : memref<125x128xf32, #tpu.memory_space<vmem>>) target(%dma_start3A_78 : memref<10000x128xf32, #tpu.memory_space<vmem_shared>>) offsets(%dma_start3A_75 : memref<125xi32, #tpu.memory_space<vmem>>) semaphore(%run_scoped3A_72 : memref<!tpu.dma_semaphore, #tpu.memory_space<semaphore_mem>>) {add = true}
        %dma_wait3A_79 = arith.constant 0 : i32
        %dma_wait3A_80 = tpu.memref_slice %arg7[%mul3A_47, %dma_wait3A_79] : memref<40x125xi32, #tpu.memory_space<vmem>> -> memref<1x125xi32, #tpu.memory_space<vmem>>
        %dma_wait3A_81 = tpu.memref_squeeze %dma_wait3A_80 : memref<1x125xi32, #tpu.memory_space<vmem>> -> memref<125xi32, #tpu.memory_space<vmem>>
        %dma_wait3A_82 = arith.constant 0 : i32
        %dma_wait3A_83 = arith.constant 0 : i32
        %dma_wait3A_84 = tpu.memref_slice %arg10[%dma_wait3A_82, %dma_wait3A_83] : memref<10000x128xf32, #tpu.memory_space<vmem_shared>> -> memref<10000x128xf32, #tpu.memory_space<vmem_shared>>
        tpu.wait_indirect_dma semaphore(%run_scoped3A_72 : memref<!tpu.dma_semaphore, #tpu.memory_space<semaphore_mem>>) src(%arg8 : memref<125x128xf32, #tpu.memory_space<vmem>>) dst(%dma_wait3A_84 : memref<10000x128xf32, #tpu.memory_space<vmem_shared>>)
        tpu.yield
      }) : () -> ()
      %lt3A_61 = arith.constant 19 : i32
      %lt3A_62 = arith.cmpi slt, %scan3A_45, %lt3A_61 : i32
      %convert_element_type3A_63 = arith.extui %lt3A_62 : i1 to i32
      %cond3A_64 = arith.constant 0 : i32
      %cond3A_65 = arith.cmpi ne, %convert_element_type3A_63, %cond3A_64 : i32
      scf.if %cond3A_65 {
        %add3A_72 = arith.constant 2 : i32
        %add3A_73 = arith.addi %mul3A_47, %add3A_72 : i32
        %dma_start3A_74 = arith.constant 0 : i32
        %dma_start3A_75 = tpu.memref_slice %arg6[%add3A_73, %dma_start3A_74] : memref<40x125xi32, #tpu.memory_space<vmem>> -> memref<1x125xi32, #tpu.memory_space<vmem>>
        %dma_start3A_76 = tpu.memref_squeeze %dma_start3A_75 : memref<1x125xi32, #tpu.memory_space<vmem>> -> memref<125xi32, #tpu.memory_space<vmem>>
        %dma_start3A_77 = arith.constant 0 : i32
        %dma_start3A_78 = arith.constant 0 : i32
        %dma_start3A_79 = tpu.memref_slice %arg2[%dma_start3A_77, %dma_start3A_78] : memref<10000x128xf32, #tpu.memory_space<hbm>> -> memref<10000x128xf32, #tpu.memory_space<hbm>>
        tpu.enqueue_indirect_dma source(%dma_start3A_79 : memref<10000x128xf32, #tpu.memory_space<hbm>>) target(%arg8 : memref<125x128xf32, #tpu.memory_space<vmem>>) offsets(%dma_start3A_76 : memref<125xi32, #tpu.memory_space<vmem>>) semaphore(%arg11 : memref<!tpu.dma_semaphore, #tpu.memory_space<semaphore_mem>>)
      } else {
      }
      %dma_wait3A_66 = arith.constant 0 : i32
      %dma_wait3A_67 = tpu.memref_slice %arg6[%add3A_49, %dma_wait3A_66] : memref<40x125xi32, #tpu.memory_space<vmem>> -> memref<1x125xi32, #tpu.memory_space<vmem>>
      %dma_wait3A_68 = tpu.memref_squeeze %dma_wait3A_67 : memref<1x125xi32, #tpu.memory_space<vmem>> -> memref<125xi32, #tpu.memory_space<vmem>>
      %dma_wait3A_69 = arith.constant 0 : i32
      %dma_wait3A_70 = arith.constant 0 : i32
      %dma_wait3A_71 = tpu.memref_slice %arg2[%dma_wait3A_69, %dma_wait3A_70] : memref<10000x128xf32, #tpu.memory_space<hbm>> -> memref<10000x128xf32, #tpu.memory_space<hbm>>
      tpu.wait_indirect_dma semaphore(%arg12 : memref<!tpu.dma_semaphore, #tpu.memory_space<semaphore_mem>>) src(%dma_wait3A_71 : memref<10000x128xf32, #tpu.memory_space<hbm>>) dst(%arg9 : memref<125x128xf32, #tpu.memory_space<vmem>>)
      "tpu.region"() ({
        %run_scoped3A_72 = tpu.sem_alloc : memref<!tpu.dma_semaphore, #tpu.memory_space<semaphore_mem>>
        %dma_start3A_73 = arith.constant 0 : i32
        %dma_start3A_74 = tpu.memref_slice %arg7[%add3A_49, %dma_start3A_73] : memref<40x125xi32, #tpu.memory_space<vmem>> -> memref<1x125xi32, #tpu.memory_space<vmem>>
        %dma_start3A_75 = tpu.memref_squeeze %dma_start3A_74 : memref<1x125xi32, #tpu.memory_space<vmem>> -> memref<125xi32, #tpu.memory_space<vmem>>
        %dma_start3A_76 = arith.constant 0 : i32
        %dma_start3A_77 = arith.constant 0 : i32
        %dma_start3A_78 = tpu.memref_slice %arg10[%dma_start3A_76, %dma_start3A_77] : memref<10000x128xf32, #tpu.memory_space<vmem_shared>> -> memref<10000x128xf32, #tpu.memory_space<vmem_shared>>
        tpu.enqueue_indirect_dma source(%arg9 : memref<125x128xf32, #tpu.memory_space<vmem>>) target(%dma_start3A_78 : memref<10000x128xf32, #tpu.memory_space<vmem_shared>>) offsets(%dma_start3A_75 : memref<125xi32, #tpu.memory_space<vmem>>) semaphore(%run_scoped3A_72 : memref<!tpu.dma_semaphore, #tpu.memory_space<semaphore_mem>>) {add = true}
        %dma_wait3A_79 = arith.constant 0 : i32
        %dma_wait3A_80 = tpu.memref_slice %arg7[%add3A_49, %dma_wait3A_79] : memref<40x125xi32, #tpu.memory_space<vmem>> -> memref<1x125xi32, #tpu.memory_space<vmem>>
        %dma_wait3A_81 = tpu.memref_squeeze %dma_wait3A_80 : memref<1x125xi32, #tpu.memory_space<vmem>> -> memref<125xi32, #tpu.memory_space<vmem>>
        %dma_wait3A_82 = arith.constant 0 : i32
        %dma_wait3A_83 = arith.constant 0 : i32
        %dma_wait3A_84 = tpu.memref_slice %arg10[%dma_wait3A_82, %dma_wait3A_83] : memref<10000x128xf32, #tpu.memory_space<vmem_shared>> -> memref<10000x128xf32, #tpu.memory_space<vmem_shared>>
        tpu.wait_indirect_dma semaphore(%run_scoped3A_72 : memref<!tpu.dma_semaphore, #tpu.memory_space<semaphore_mem>>) src(%arg9 : memref<125x128xf32, #tpu.memory_space<vmem>>) dst(%dma_wait3A_84 : memref<10000x128xf32, #tpu.memory_space<vmem_shared>>)
        tpu.yield
      }) : () -> ()
    }
    %scan3A_33 = arith.constant 20 : i32
    %barrier3A_34 = arith.constant 0 : index
    tpu.barrier barrier_id(%barrier3A_34)
    %lt3A_35 = arith.constant 15 : i32
    %lt3A_36 = arith.cmpi slt, %arg1, %lt3A_35 : i32
    %convert_element_type3A_37 = arith.extui %lt3A_36 : i1 to i32
    %cond3A_38 = arith.constant 0 : i32
    %cond3A_39 = arith.cmpi ne, %convert_element_type3A_37, %cond3A_38 : i32
    scf.if %cond3A_39 {
      %mul3A_45 = arith.constant 640 : i32
      %mul3A_46 = arith.muli %arg1, %mul3A_45 : i32
      %mul3A_47 = arith.constant 640 : i32
      %mul3A_48 = arith.muli %arg1, %mul3A_47 : i32
      "tpu.region"() ({
        %run_scoped3A_49 = tpu.sem_alloc : memref<!tpu.dma_semaphore, #tpu.memory_space<semaphore_mem>>
        %dma_start3A_50 = arith.constant 0 : i32
        %dma_start3A_51 = tpu.memref_slice %arg5[%arg0, %mul3A_48, %dma_start3A_50] : memref<2x10000x128xf32, #tpu.memory_space<hbm>> -> memref<1x640x128xf32, #tpu.memory_space<hbm>>
        %dma_start3A_52 = tpu.memref_squeeze %dma_start3A_51 : memref<1x640x128xf32, #tpu.memory_space<hbm>> -> memref<640x128xf32, #tpu.memory_space<hbm>>
        %dma_start3A_53 = arith.constant 0 : i32
        %dma_start3A_54 = tpu.memref_slice %arg10[%mul3A_46, %dma_start3A_53] : memref<10000x128xf32, #tpu.memory_space<vmem_shared>> -> memref<640x128xf32, #tpu.memory_space<vmem_shared>>
        tpu.enqueue_dma source(%dma_start3A_54 : memref<640x128xf32, #tpu.memory_space<vmem_shared>>) target(%dma_start3A_52 : memref<640x128xf32, #tpu.memory_space<hbm>>) target_semaphore(%run_scoped3A_49 : memref<!tpu.dma_semaphore, #tpu.memory_space<semaphore_mem>>)
        %dma_wait3A = arith.constant 0 : i32
        %dma_wait3A_55 = tpu.memref_slice %arg5[%arg0, %mul3A_48, %dma_wait3A] : memref<2x10000x128xf32, #tpu.memory_space<hbm>> -> memref<1x640x128xf32, #tpu.memory_space<hbm>>
        %dma_wait3A_56 = tpu.memref_squeeze %dma_wait3A_55 : memref<1x640x128xf32, #tpu.memory_space<hbm>> -> memref<640x128xf32, #tpu.memory_space<hbm>>
        %dma_wait3A_57 = arith.constant 0 : i32
        %dma_wait3A_58 = tpu.memref_slice %arg10[%mul3A_46, %dma_wait3A_57] : memref<10000x128xf32, #tpu.memory_space<vmem_shared>> -> memref<640x128xf32, #tpu.memory_space<vmem_shared>>
        tpu.wait_dma2 semaphore(%run_scoped3A_49 : memref<!tpu.dma_semaphore, #tpu.memory_space<semaphore_mem>>) src(%dma_wait3A_58 : memref<640x128xf32, #tpu.memory_space<vmem_shared>>) dst(%dma_wait3A_56 : memref<640x128xf32, #tpu.memory_space<hbm>>)
        tpu.yield
      }) : () -> ()
    } else {
    }
    %eq3A_40 = arith.constant 15 : i32
    %eq3A_41 = arith.cmpi eq, %arg1, %eq3A_40 : i32
    %convert_element_type3A_42 = arith.extui %eq3A_41 : i1 to i32
    %cond3A_43 = arith.constant 0 : i32
    %cond3A_44 = arith.cmpi ne, %convert_element_type3A_42, %cond3A_43 : i32
    scf.if %cond3A_44 {
      "tpu.region"() ({
        %run_scoped3A_45 = tpu.sem_alloc : memref<!tpu.dma_semaphore, #tpu.memory_space<semaphore_mem>>
        %dma_start3A_46 = arith.constant 9600 : i32
        %dma_start3A_47 = arith.constant 0 : i32
        %dma_start3A_48 = tpu.memref_slice %arg5[%arg0, %dma_start3A_46, %dma_start3A_47] : memref<2x10000x128xf32, #tpu.memory_space<hbm>> -> memref<1x400x128xf32, #tpu.memory_space<hbm>>
        %dma_start3A_49 = tpu.memref_squeeze %dma_start3A_48 : memref<1x400x128xf32, #tpu.memory_space<hbm>> -> memref<400x128xf32, #tpu.memory_space<hbm>>
        %dma_start3A_50 = arith.constant 9600 : i32
        %dma_start3A_51 = arith.constant 0 : i32
        %dma_start3A_52 = tpu.memref_slice %arg10[%dma_start3A_50, %dma_start3A_51] : memref<10000x128xf32, #tpu.memory_space<vmem_shared>> -> memref<400x128xf32, #tpu.memory_space<vmem_shared>>
        tpu.enqueue_dma source(%dma_start3A_52 : memref<400x128xf32, #tpu.memory_space<vmem_shared>>) target(%dma_start3A_49 : memref<400x128xf32, #tpu.memory_space<hbm>>) target_semaphore(%run_scoped3A_45 : memref<!tpu.dma_semaphore, #tpu.memory_space<semaphore_mem>>)
        %dma_wait3A = arith.constant 9600 : i32
        %dma_wait3A_53 = arith.constant 0 : i32
        %dma_wait3A_54 = tpu.memref_slice %arg5[%arg0, %dma_wait3A, %dma_wait3A_53] : memref<2x10000x128xf32, #tpu.memory_space<hbm>> -> memref<1x400x128xf32, #tpu.memory_space<hbm>>
        %dma_wait3A_55 = tpu.memref_squeeze %dma_wait3A_54 : memref<1x400x128xf32, #tpu.memory_space<hbm>> -> memref<400x128xf32, #tpu.memory_space<hbm>>
        %dma_wait3A_56 = arith.constant 9600 : i32
        %dma_wait3A_57 = arith.constant 0 : i32
        %dma_wait3A_58 = tpu.memref_slice %arg10[%dma_wait3A_56, %dma_wait3A_57] : memref<10000x128xf32, #tpu.memory_space<vmem_shared>> -> memref<400x128xf32, #tpu.memory_space<vmem_shared>>
        tpu.wait_dma2 semaphore(%run_scoped3A_45 : memref<!tpu.dma_semaphore, #tpu.memory_space<semaphore_mem>>) src(%dma_wait3A_58 : memref<400x128xf32, #tpu.memory_space<vmem_shared>>) dst(%dma_wait3A_55 : memref<400x128xf32, #tpu.memory_space<hbm>>)
        tpu.yield
      }) : () -> ()
    } else {
    }
    return
  }
}

module attributes {stable_mosaic.version = 14 : i64} {
  func.func @_mm_body(%arg0: i32, %arg1: memref<1000x128xf32, #tpu.memory_space<vmem>>, %arg2: memref<128x128xf32, #tpu.memory_space<vmem>>, %arg3: memref<1000x128xf32, #tpu.memory_space<vmem>>) attributes {dimension_semantics = [#tpu.dimension_semantics<arbitrary>], iteration_bounds = array<i64: 10>, scalar_prefetch = 0 : i64, scratch_operands = 0 : i64, tpu.core_type = #tpu.core_type<tc>, window_params = [{transform_indices = @transform_0, window_bounds = array<i64: 1000, 128>}, {pipeline_mode = #tpu.pipeline_mode<synchronous>, transform_indices = @transform_1, window_bounds = array<i64: 128, 128>}, {transform_indices = @transform_2, window_bounds = array<i64: 1000, 128>}]} {
    %get3A = arith.constant 0 : index
    %get3A_0 = arith.constant 0 : index
    %get3A_1 = vector.load %arg1[%get3A, %get3A_0] : memref<1000x128xf32, #tpu.memory_space<vmem>>, vector<1000x128xf32>
    %get3A_2 = arith.constant 0 : index
    %get3A_3 = arith.constant 0 : index
    %get3A_4 = vector.load %arg2[%get3A_2, %get3A_3] : memref<128x128xf32, #tpu.memory_space<vmem>>, vector<128x128xf32>
    %dot_general3A = arith.constant dense<0.000000e+00> : vector<1000x128xf32>
    %dot_general3A_5 = tpu.matmul %get3A_1, %get3A_4, %dot_general3A {dimension_numbers = #tpu.dot_dimension_numbers<[1], [0], [0], [1], [0, 0, 1, 1], [], []>, transpose_lhs_hint = false} : vector<1000x128xf32>, vector<128x128xf32>, vector<1000x128xf32> -> vector<1000x128xf32>
    %swap3A = arith.constant 0 : index
    %swap3A_6 = arith.constant 0 : index
    %swap3A_7 = vector.load %arg3[%swap3A, %swap3A_6] : memref<1000x128xf32, #tpu.memory_space<vmem>>, vector<1000x128xf32>
    tpu.vector_store %arg3[%swap3A, %swap3A_6], %dot_general3A_5 {strides = array<i32>} : memref<1000x128xf32, #tpu.memory_space<vmem>>, vector<1000x128xf32>,
    return
  }
  func.func @transform_0(%arg0: i32) -> (i32, i32) {
    %c0_i32 = arith.constant 0 : i32
    %c0_i32_0 = arith.constant 0 : i32
    return %arg0, %c0_i32 : i32, i32
  }
  func.func @transform_1(%arg0: i32) -> (i32, i32) {
    %c0_i32 = arith.constant 0 : i32
    %c0_i32_0 = arith.constant 0 : i32
    %c0_i32_1 = arith.constant 0 : i32
    return %c0_i32, %c0_i32_0 : i32, i32
  }
  func.func @transform_2(%arg0: i32) -> (i32, i32) {
    %c0_i32 = arith.constant 0 : i32
    %c0_i32_0 = arith.constant 0 : i32
    return %arg0, %c0_i32 : i32, i32
  }
}

module attributes {stable_mosaic.version = 14 : i64} {
  func.func @_scale_body(%arg0: i32, %arg1: memref<1x1000x128xf32, #tpu.memory_space<vmem>>, %arg2: memref<1000x128xf32, #tpu.memory_space<vmem>>, %arg3: memref<1000x128xf32, #tpu.memory_space<vmem>>) attributes {dimension_semantics = [#tpu.dimension_semantics<arbitrary>], iteration_bounds = array<i64: 10>, scalar_prefetch = 0 : i64, scratch_operands = 0 : i64, tpu.core_type = #tpu.core_type<tc>, window_params = [{transform_indices = @transform_0, window_bounds = array<i64: 1, 1000, 128>}, {transform_indices = @transform_1, window_bounds = array<i64: 1000, 128>}, {transform_indices = @transform_2, window_bounds = array<i64: 1000, 128>}]} {
    %get3A = arith.constant 0 : index
    %get3A_0 = arith.constant 0 : index
    %get3A_1 = arith.constant 0 : index
    %get3A_2 = vector.load %arg1[%get3A, %get3A_0, %get3A_1] : memref<1x1000x128xf32, #tpu.memory_space<vmem>>, vector<1x1000x128xf32>
    %slice3A = vector.extract_strided_slice %get3A_2 {offsets = [0, 0, 0], sizes = [1, 1000, 1], strides = [1, 1, 1]} : vector<1x1000x128xf32> to vector<1x1000x1xf32>
    %squeeze3A = vector.shape_cast %slice3A : vector<1x1000x1xf32> to vector<1000xf32>
    %gt3A = arith.constant 0.000000e+00 : f32
    %gt3A_3 = vector.broadcast %gt3A : f32 to vector<1000xf32>
    %gt3A_4 = arith.cmpf ogt, %squeeze3A, %gt3A_3 : vector<1000xf32>
    %rsqrt3A = math.rsqrt %squeeze3A : vector<1000xf32>
    %jit3A = arith.constant 0.000000e+00 : f32
    %broadcast_in_dim3A = vector.broadcast %jit3A : f32 to vector<1000xf32>
    %select_n3A = arith.select %gt3A_4, %rsqrt3A, %broadcast_in_dim3A : vector<1000xi1>, vector<1000xf32>
    %get3A_5 = arith.constant 0 : index
    %get3A_6 = arith.constant 0 : index
    %get3A_7 = vector.load %arg2[%get3A_5, %get3A_6] : memref<1000x128xf32, #tpu.memory_space<vmem>>, vector<1000x128xf32>
    %broadcast_in_dim3A_8 = vector.shape_cast %select_n3A : vector<1000xf32> to vector<1000x1xf32>
    %mul3A = vector.broadcast %broadcast_in_dim3A_8 : vector<1000x1xf32> to vector<1000x128xf32>
    %mul3A_9 = arith.mulf %get3A_7, %mul3A : vector<1000x128xf32>
    %swap3A = arith.constant 0 : index
    %swap3A_10 = arith.constant 0 : index
    %swap3A_11 = vector.load %arg3[%swap3A, %swap3A_10] : memref<1000x128xf32, #tpu.memory_space<vmem>>, vector<1000x128xf32>
    tpu.vector_store %arg3[%swap3A, %swap3A_10], %mul3A_9 {strides = array<i32>} : memref<1000x128xf32, #tpu.memory_space<vmem>>, vector<1000x128xf32>,
    return
  }
  func.func @transform_0(%arg0: i32) -> (i32, i32, i32) {
    %c0_i32 = arith.constant 0 : i32
    %c0_i32_0 = arith.constant 0 : i32
    %c0_i32_1 = arith.constant 0 : i32
    return %c0_i32, %arg0, %c0_i32_0 : i32, i32, i32
  }
  func.func @transform_1(%arg0: i32) -> (i32, i32) {
    %c0_i32 = arith.constant 0 : i32
    %c0_i32_0 = arith.constant 0 : i32
    return %arg0, %c0_i32 : i32, i32
  }
  func.func @transform_2(%arg0: i32) -> (i32, i32) {
    %c0_i32 = arith.constant 0 : i32
    %c0_i32_0 = arith.constant 0 : i32
    return %arg0, %c0_i32 : i32, i32
  }
}

module attributes {stable_mosaic.version = 14 : i64} {
  func.func @_tc2_body(%arg0: i32, %arg1: memref<1x1000x128xf32, #tpu.memory_space<vmem>>, %arg2: memref<1x1000x128xf32, #tpu.memory_space<vmem>>, %arg3: memref<2x1000x128xf32, #tpu.memory_space<vmem>>, %arg4: memref<128xf32, #tpu.memory_space<vmem>>, %arg5: memref<128x128xf32, #tpu.memory_space<vmem>>, %arg6: memref<1000x128xf32, #tpu.memory_space<vmem>>) attributes {dimension_semantics = [#tpu.dimension_semantics<arbitrary>], iteration_bounds = array<i64: 10>, scalar_prefetch = 0 : i64, scratch_operands = 0 : i64, tpu.core_type = #tpu.core_type<tc>, window_params = [{transform_indices = @transform_0, window_bounds = array<i64: 1, 1000, 128>}, {transform_indices = @transform_1, window_bounds = array<i64: 1, 1000, 128>}, {transform_indices = @transform_2, window_bounds = array<i64: 2, 1000, 128>}, {pipeline_mode = #tpu.pipeline_mode<synchronous>, transform_indices = @transform_3, window_bounds = array<i64: 128>}, {pipeline_mode = #tpu.pipeline_mode<synchronous>, transform_indices = @transform_4, window_bounds = array<i64: 128, 128>}, {transform_indices = @transform_5, window_bounds = array<i64: 1000, 128>}]} {
    %get3A = arith.constant 0 : index
    %get3A_0 = arith.constant 0 : index
    %get3A_1 = arith.constant 0 : index
    %get3A_2 = vector.load %arg2[%get3A, %get3A_0, %get3A_1] : memref<1x1000x128xf32, #tpu.memory_space<vmem>>, vector<1x1000x128xf32>
    %slice3A = vector.extract_strided_slice %get3A_2 {offsets = [0, 0, 0], sizes = [1, 1000, 1], strides = [1, 1, 1]} : vector<1x1000x128xf32> to vector<1x1000x1xf32>
    %squeeze3A = vector.shape_cast %slice3A : vector<1x1000x1xf32> to vector<1000xf32>
    %gt3A = arith.constant 0.000000e+00 : f32
    %gt3A_3 = vector.broadcast %gt3A : f32 to vector<1000xf32>
    %gt3A_4 = arith.cmpf ogt, %squeeze3A, %gt3A_3 : vector<1000xf32>
    %rsqrt3A = math.rsqrt %squeeze3A : vector<1000xf32>
    %jit3A = arith.constant 0.000000e+00 : f32
    %broadcast_in_dim3A = vector.broadcast %jit3A : f32 to vector<1000xf32>
    %select_n3A = arith.select %gt3A_4, %rsqrt3A, %broadcast_in_dim3A : vector<1000xi1>, vector<1000xf32>
    %get3A_5 = arith.constant 0 : index
    %get3A_6 = arith.constant 0 : index
    %get3A_7 = arith.constant 0 : index
    %get3A_8 = vector.load %arg1[%get3A_5, %get3A_6, %get3A_7] : memref<1x1000x128xf32, #tpu.memory_space<vmem>>, vector<1x1000x128xf32>
    %slice3A_9 = vector.extract_strided_slice %get3A_8 {offsets = [0, 0, 0], sizes = [1, 1000, 1], strides = [1, 1, 1]} : vector<1x1000x128xf32> to vector<1x1000x1xf32>
    %squeeze3A_10 = vector.shape_cast %slice3A_9 : vector<1x1000x1xf32> to vector<1000xf32>
    %gt3A_11 = arith.constant 0.000000e+00 : f32
    %gt3A_12 = vector.broadcast %gt3A_11 : f32 to vector<1000xf32>
    %gt3A_13 = arith.cmpf ogt, %squeeze3A_10, %gt3A_12 : vector<1000xf32>
    %rsqrt3A_14 = math.rsqrt %squeeze3A_10 : vector<1000xf32>
    %jit3A_15 = arith.constant 0.000000e+00 : f32
    %broadcast_in_dim3A_16 = vector.broadcast %jit3A_15 : f32 to vector<1000xf32>
    %select_n3A_17 = arith.select %gt3A_13, %rsqrt3A_14, %broadcast_in_dim3A_16 : vector<1000xi1>, vector<1000xf32>
    %get3A_18 = arith.constant 0 : index
    %get3A_19 = arith.constant 0 : index
    %get3A_20 = arith.constant 0 : index
    %get3A_21 = vector.load %arg3[%get3A_18, %get3A_19, %get3A_20] : memref<2x1000x128xf32, #tpu.memory_space<vmem>>, vector<2x1000x128xf32>
    %slice3A_22 = vector.extract_strided_slice %get3A_21 {offsets = [0, 0, 0], sizes = [1, 1000, 128], strides = [1, 1, 1]} : vector<2x1000x128xf32> to vector<1x1000x128xf32>
    %squeeze3A_23 = vector.shape_cast %slice3A_22 : vector<1x1000x128xf32> to vector<1000x128xf32>
    %slice3A_24 = vector.extract_strided_slice %get3A_21 {offsets = [1, 0, 0], sizes = [1, 1000, 128], strides = [1, 1, 1]} : vector<2x1000x128xf32> to vector<1x1000x128xf32>
    %squeeze3A_25 = vector.shape_cast %slice3A_24 : vector<1x1000x128xf32> to vector<1000x128xf32>
    %add3A = arith.addf %squeeze3A_23, %squeeze3A_25 : vector<1000x128xf32>
    %broadcast_in_dim3A_26 = vector.shape_cast %select_n3A : vector<1000xf32> to vector<1000x1xf32>
    %mul3A = vector.broadcast %broadcast_in_dim3A_26 : vector<1000x1xf32> to vector<1000x128xf32>
    %mul3A_27 = arith.mulf %add3A, %mul3A : vector<1000x128xf32>
    %get3A_28 = arith.constant 0 : index
    %get3A_29 = vector.load %arg4[%get3A_28] : memref<128xf32, #tpu.memory_space<vmem>>, vector<128xf32>
    %broadcast_in_dim3A_30 = vector.shape_cast %get3A_29 : vector<128xf32> to vector<1x128xf32>
    %add3A_31 = vector.broadcast %broadcast_in_dim3A_30 : vector<1x128xf32> to vector<1000x128xf32>
    %add3A_32 = arith.addf %mul3A_27, %add3A_31 : vector<1000x128xf32>
    %max3A = arith.constant 0.000000e+00 : f32
    %max3A_33 = vector.broadcast %max3A : f32 to vector<1000x128xf32>
    %max3A_34 = arith.maximumf %add3A_32, %max3A_33 : vector<1000x128xf32>
    %get3A_35 = arith.constant 0 : index
    %get3A_36 = arith.constant 0 : index
    %get3A_37 = vector.load %arg5[%get3A_35, %get3A_36] : memref<128x128xf32, #tpu.memory_space<vmem>>, vector<128x128xf32>
    %dot_general3A = arith.constant dense<0.000000e+00> : vector<1000x128xf32>
    %dot_general3A_38 = tpu.matmul %max3A_34, %get3A_37, %dot_general3A {dimension_numbers = #tpu.dot_dimension_numbers<[1], [0], [0], [1], [0, 0, 1, 1], [], []>, transpose_lhs_hint = false} : vector<1000x128xf32>, vector<128x128xf32>, vector<1000x128xf32> -> vector<1000x128xf32>
    %broadcast_in_dim3A_39 = vector.shape_cast %select_n3A_17 : vector<1000xf32> to vector<1000x1xf32>
    %mul3A_40 = vector.broadcast %broadcast_in_dim3A_39 : vector<1000x1xf32> to vector<1000x128xf32>
    %mul3A_41 = arith.mulf %dot_general3A_38, %mul3A_40 : vector<1000x128xf32>
    %swap3A = arith.constant 0 : index
    %swap3A_42 = arith.constant 0 : index
    %swap3A_43 = vector.load %arg6[%swap3A, %swap3A_42] : memref<1000x128xf32, #tpu.memory_space<vmem>>, vector<1000x128xf32>
    tpu.vector_store %arg6[%swap3A, %swap3A_42], %mul3A_41 {strides = array<i32>} : memref<1000x128xf32, #tpu.memory_space<vmem>>, vector<1000x128xf32>,
    return
  }
  func.func @transform_0(%arg0: i32) -> (i32, i32, i32) {
    %c0_i32 = arith.constant 0 : i32
    %c0_i32_0 = arith.constant 0 : i32
    %c0_i32_1 = arith.constant 0 : i32
    return %c0_i32, %arg0, %c0_i32_0 : i32, i32, i32
  }
  func.func @transform_1(%arg0: i32) -> (i32, i32, i32) {
    %c1_i32 = arith.constant 1 : i32
    %c0_i32 = arith.constant 0 : i32
    %c0_i32_0 = arith.constant 0 : i32
    return %c1_i32, %arg0, %c0_i32 : i32, i32, i32
  }
  func.func @transform_2(%arg0: i32) -> (i32, i32, i32) {
    %c0_i32 = arith.constant 0 : i32
    %c0_i32_0 = arith.constant 0 : i32
    %c0_i32_1 = arith.constant 0 : i32
    return %c0_i32, %arg0, %c0_i32_0 : i32, i32, i32
  }
  func.func @transform_3(%arg0: i32) -> i32 {
    %c0_i32 = arith.constant 0 : i32
    %c0_i32_0 = arith.constant 0 : i32
    return %c0_i32 : i32
  }
  func.func @transform_4(%arg0: i32) -> (i32, i32) {
    %c0_i32 = arith.constant 0 : i32
    %c0_i32_0 = arith.constant 0 : i32
    %c0_i32_1 = arith.constant 0 : i32
    return %c0_i32, %c0_i32_0 : i32, i32
  }
  func.func @transform_5(%arg0: i32) -> (i32, i32) {
    %c0_i32 = arith.constant 0 : i32
    %c0_i32_0 = arith.constant 0 : i32
    return %arg0, %c0_i32 : i32, i32
  }
}

module attributes {stable_mosaic.version = 14 : i64} {
  func.func @_tc3_body(%arg0: i32, %arg1: memref<1x1000x128xf32, #tpu.memory_space<vmem>>, %arg2: memref<2x1000x128xf32, #tpu.memory_space<vmem>>, %arg3: memref<128xf32, #tpu.memory_space<vmem>>, %arg4: memref<128x64xf32, #tpu.memory_space<vmem>>, %arg5: memref<64xf32, #tpu.memory_space<vmem>>, %arg6: memref<1000x64xf32, #tpu.memory_space<vmem>>) attributes {dimension_semantics = [#tpu.dimension_semantics<arbitrary>], iteration_bounds = array<i64: 10>, scalar_prefetch = 0 : i64, scratch_operands = 0 : i64, tpu.core_type = #tpu.core_type<tc>, window_params = [{transform_indices = @transform_0, window_bounds = array<i64: 1, 1000, 128>}, {transform_indices = @transform_1, window_bounds = array<i64: 2, 1000, 128>}, {pipeline_mode = #tpu.pipeline_mode<synchronous>, transform_indices = @transform_2, window_bounds = array<i64: 128>}, {pipeline_mode = #tpu.pipeline_mode<synchronous>, transform_indices = @transform_3, window_bounds = array<i64: 128, 64>}, {pipeline_mode = #tpu.pipeline_mode<synchronous>, transform_indices = @transform_4, window_bounds = array<i64: 64>}, {transform_indices = @transform_5, window_bounds = array<i64: 1000, 64>}]} {
    %get3A = arith.constant 0 : index
    %get3A_0 = arith.constant 0 : index
    %get3A_1 = arith.constant 0 : index
    %get3A_2 = vector.load %arg1[%get3A, %get3A_0, %get3A_1] : memref<1x1000x128xf32, #tpu.memory_space<vmem>>, vector<1x1000x128xf32>
    %slice3A = vector.extract_strided_slice %get3A_2 {offsets = [0, 0, 0], sizes = [1, 1000, 1], strides = [1, 1, 1]} : vector<1x1000x128xf32> to vector<1x1000x1xf32>
    %squeeze3A = vector.shape_cast %slice3A : vector<1x1000x1xf32> to vector<1000xf32>
    %gt3A = arith.constant 0.000000e+00 : f32
    %gt3A_3 = vector.broadcast %gt3A : f32 to vector<1000xf32>
    %gt3A_4 = arith.cmpf ogt, %squeeze3A, %gt3A_3 : vector<1000xf32>
    %rsqrt3A = math.rsqrt %squeeze3A : vector<1000xf32>
    %jit3A = arith.constant 0.000000e+00 : f32
    %broadcast_in_dim3A = vector.broadcast %jit3A : f32 to vector<1000xf32>
    %select_n3A = arith.select %gt3A_4, %rsqrt3A, %broadcast_in_dim3A : vector<1000xi1>, vector<1000xf32>
    %get3A_5 = arith.constant 0 : index
    %get3A_6 = arith.constant 0 : index
    %get3A_7 = arith.constant 0 : index
    %get3A_8 = vector.load %arg2[%get3A_5, %get3A_6, %get3A_7] : memref<2x1000x128xf32, #tpu.memory_space<vmem>>, vector<2x1000x128xf32>
    %slice3A_9 = vector.extract_strided_slice %get3A_8 {offsets = [0, 0, 0], sizes = [1, 1000, 128], strides = [1, 1, 1]} : vector<2x1000x128xf32> to vector<1x1000x128xf32>
    %squeeze3A_10 = vector.shape_cast %slice3A_9 : vector<1x1000x128xf32> to vector<1000x128xf32>
    %slice3A_11 = vector.extract_strided_slice %get3A_8 {offsets = [1, 0, 0], sizes = [1, 1000, 128], strides = [1, 1, 1]} : vector<2x1000x128xf32> to vector<1x1000x128xf32>
    %squeeze3A_12 = vector.shape_cast %slice3A_11 : vector<1x1000x128xf32> to vector<1000x128xf32>
    %add3A = arith.addf %squeeze3A_10, %squeeze3A_12 : vector<1000x128xf32>
    %broadcast_in_dim3A_13 = vector.shape_cast %select_n3A : vector<1000xf32> to vector<1000x1xf32>
    %mul3A = vector.broadcast %broadcast_in_dim3A_13 : vector<1000x1xf32> to vector<1000x128xf32>
    %mul3A_14 = arith.mulf %add3A, %mul3A : vector<1000x128xf32>
    %get3A_15 = arith.constant 0 : index
    %get3A_16 = vector.load %arg3[%get3A_15] : memref<128xf32, #tpu.memory_space<vmem>>, vector<128xf32>
    %broadcast_in_dim3A_17 = vector.shape_cast %get3A_16 : vector<128xf32> to vector<1x128xf32>
    %add3A_18 = vector.broadcast %broadcast_in_dim3A_17 : vector<1x128xf32> to vector<1000x128xf32>
    %add3A_19 = arith.addf %mul3A_14, %add3A_18 : vector<1000x128xf32>
    %max3A = arith.constant 0.000000e+00 : f32
    %max3A_20 = vector.broadcast %max3A : f32 to vector<1000x128xf32>
    %max3A_21 = arith.maximumf %add3A_19, %max3A_20 : vector<1000x128xf32>
    %get3A_22 = arith.constant 0 : index
    %get3A_23 = arith.constant 0 : index
    %get3A_24 = vector.load %arg4[%get3A_22, %get3A_23] : memref<128x64xf32, #tpu.memory_space<vmem>>, vector<128x64xf32>
    %dot_general3A = arith.constant dense<0.000000e+00> : vector<1000x64xf32>
    %dot_general3A_25 = tpu.matmul %max3A_21, %get3A_24, %dot_general3A {dimension_numbers = #tpu.dot_dimension_numbers<[1], [0], [0], [1], [0, 0, 1, 1], [], []>, transpose_lhs_hint = false} : vector<1000x128xf32>, vector<128x64xf32>, vector<1000x64xf32> -> vector<1000x64xf32>
    %get3A_26 = arith.constant 0 : index
    %get3A_27 = vector.load %arg5[%get3A_26] : memref<64xf32, #tpu.memory_space<vmem>>, vector<64xf32>
    %broadcast_in_dim3A_28 = vector.shape_cast %get3A_27 : vector<64xf32> to vector<1x64xf32>
    %add3A_29 = vector.broadcast %broadcast_in_dim3A_28 : vector<1x64xf32> to vector<1000x64xf32>
    %add3A_30 = arith.addf %dot_general3A_25, %add3A_29 : vector<1000x64xf32>
    %swap3A = arith.constant 0 : index
    %swap3A_31 = arith.constant 0 : index
    %swap3A_32 = vector.load %arg6[%swap3A, %swap3A_31] : memref<1000x64xf32, #tpu.memory_space<vmem>>, vector<1000x64xf32>
    tpu.vector_store %arg6[%swap3A, %swap3A_31], %add3A_30 {strides = array<i32>} : memref<1000x64xf32, #tpu.memory_space<vmem>>, vector<1000x64xf32>,
    return
  }
  func.func @transform_0(%arg0: i32) -> (i32, i32, i32) {
    %c1_i32 = arith.constant 1 : i32
    %c0_i32 = arith.constant 0 : i32
    %c0_i32_0 = arith.constant 0 : i32
    return %c1_i32, %arg0, %c0_i32 : i32, i32, i32
  }
  func.func @transform_1(%arg0: i32) -> (i32, i32, i32) {
    %c0_i32 = arith.constant 0 : i32
    %c0_i32_0 = arith.constant 0 : i32
    %c0_i32_1 = arith.constant 0 : i32
    return %c0_i32, %arg0, %c0_i32_0 : i32, i32, i32
  }
  func.func @transform_2(%arg0: i32) -> i32 {
    %c0_i32 = arith.constant 0 : i32
    %c0_i32_0 = arith.constant 0 : i32
    return %c0_i32 : i32
  }
  func.func @transform_3(%arg0: i32) -> (i32, i32) {
    %c0_i32 = arith.constant 0 : i32
    %c0_i32_0 = arith.constant 0 : i32
    %c0_i32_1 = arith.constant 0 : i32
    return %c0_i32, %c0_i32_0 : i32, i32
  }
  func.func @transform_4(%arg0: i32) -> i32 {
    %c0_i32 = arith.constant 0 : i32
    %c0_i32_0 = arith.constant 0 : i32
    return %c0_i32 : i32
  }
  func.func @transform_5(%arg0: i32) -> (i32, i32) {
    %c0_i32 = arith.constant 0 : i32
    %c0_i32_0 = arith.constant 0 : i32
    return %arg0, %c0_i32 : i32, i32
  }
}

</mosaic_0001>

<sc_bundles>
// kernel: kernel.12.cloned.1.call-start
scs
__scs_entry_jumppad:
0x0: {  	(pc) =	sbr.rel $0x88, $3  }
0x1: {  	(tag) =	ssettag $0x0;
	lr =	simm.s32 $0x1  }
0x2: {  	[smem:$0x3F99] =	sst lr;
	_ =	strace $0xD0000000  }
0x3: {  	_ = 	snop  }
0x4: {  	_ = 	snop  }
0x5: {  	_ = 	snop  }
0x6: {  	_ = 	snop  }
0x7: {  	_ = 	snop  }
__scs_overlays_trampoline_lowered:
0x8: {  	[smem:$0x3FA8] =	sst s0  }
0x9: {  	[smem:$0x3FA9] =	sst s1  }
0xa: {  	[smem:$0x3FAA] =	sst s2  }
0xb: {  	[smem:$0x3FAB] =	sst s3  }
0xc: {  	[smem:$0x3FAC] =	sst s4  }
0xd: {  	[smem:$0x3FAD] =	sst s5  }
0xe: {  	[smem:$0x3FAE] =	sst s6  }
0xf: {  	[smem:$0x3FAF] =	sst s7  }
0x10: {  	[smem:$0x3FB0] =	sst s8  }
0x11: {  	[smem:$0x3FB1] =	sst s9;
	s0 =	simm.s32 @!p0 $0x0  }
0x12: {  	s1 =	sld [smem:$0x3F97];
	s0 =	simm.s32 @p0 $0x1  }
0x13: {  	[smem:$0x3FB2] =	sst s0;
	s0 =	simm.s32 @!p1 $0x0  }
0x14: {  	s2 =	sld [smem:$0x3F96];
	s0 =	simm.s32 @p1 $0x1  }
0x15: {  	[smem:$0x3FB3] =	sst s0;
	s0 =	simm.s32 @!p2 $0x0  }
0x16: {  	s3 =	sld [smem:$0x3FDB];
	s0 =	simm.s32 @p2 $0x1  }
0x17: {  	s4 =	simm.s32 $0x1BF5;
	[smem:$0x3FB5] =	sst s0  }
0x18: {  	s0 =	sld [smem:$0x3F98];
	_ =	swait.ge [sflag:s4], $0x0  }
0x19: {  	s7 =	sld [smem:$0x3F99]  }
0x1a: {  	s8 =	sadd.s32 $0xFFFFE003, lr  }
0x1b: {  	s9 =	sadd.s32 $0xFFFFFEF7, lr;
	s5 =	simm.s32 $0xFFFFFFFF;
	p2 =	slt.u32 s8, $0xFFFFF086  }
0x1c: {  	p1 =	slt.u32 s9, $0xF7A;
	s5 =	simm.s32 @!p2 $0x0  }
0x1d: {  	s5 =	simm.s32 @p1 $0x1;
	p0 =	seq.s32 s7, s2  }
0x1e: {  	s7 =	smul.u32 @!p0 $0xF7A, s2;
	p2 =	seq.s32 @!p0 s5, $0x0  }
0x1f: {  	s9 =	smul.u32 $0xF7A, s1;
	s8 =	simm.s32 @!p0 $0x1BF5;
	p2 =	por !p2, p0  }
0x20: {  	[sflag:s8] =	ssyncset.s32 @!p0 $0xFFFFF086;
	s6 =	sadd.s32 @!p0 s3, s7;
	s7 =	simm.s32 @!p0 $0x108  }
0x21: {  	s3 =	sadd.s32 s3, s9;
	s6 =	sadd.s32 @!p0 $0x88, s6;
	s7 =	simm.s32 @p2 $0x1082  }
0x22: {  	[simem:s7], [sflag:s8] =	dma.local @!p0 [hbm:s6], $0xF7A  }
0x23: {  	s9 =	sor.u32 $0xD0000000, s2;
	s6 =	simm.s32 $0x108;
	_ =	swait.ge @!p0 [sflag:s8], $0x0  }
0x24: {  	s3 =	sadd.s32 $0x88, s3;
	s6 =	simm.s32 @!p1 $0x1082;
	[sflag:s4] =	ssyncset.s32 $0xFFFFF086  }
0x25: {  	[simem:s6], [sflag:s4] =	dma.local [hbm:s3], $0xF7A  }
0x26: {  	[smem:$0x3F99] =	sst s1;
	(tag) =	ssettag s2;
	_ =	strace s9  }
0x27: {  	s1 =	sld [smem:$0x3FA9]  }
0x28: {  	s2 =	sld [smem:$0x3FAA]  }
0x29: {  	s4 =	sld [smem:$0x3FAC]  }
0x2a: {  	p0 =	seq.s32 s5, $0x0;
	s5 =	sld [smem:$0x3FAD]  }
0x2b: {  	s6 =	sld [smem:$0x3FAE]  }
0x2c: {  	s7 =	sld [smem:$0x3FAF]  }
0x2d: {  	s3 =	simm.s32 $0x108;
	s8 =	sld [smem:$0x3FB0]  }
0x2e: {  	s3 =	simm.s32 @!p0 $0x1082;
	s9 =	sld [smem:$0x3FB1]  }
0x2f: {  	lr =	sadd.s32 s0, s3;
	s0 =	sld [smem:$0x3FA8]  }
0x30: {  	s3 =	sld [smem:$0x3FAB]  }
0x31: {  	[smem:$0x3FB4] =	sst s10  }
0x32: {  	s10 =	sld [smem:$0x3FB2];
	_ =	sdelay $0x3  }
0x33: {  	p0 =	seq.s32 s10, $0x1;
	s10 =	sld [smem:$0x3FB4];
	_ =	sdelay $0x3  }
0x34: {  	[smem:$0x3FB4] =	sst s10  }
0x35: {  	s10 =	sld [smem:$0x3FB3];
	_ =	sdelay $0x3  }
0x36: {  	p1 =	seq.s32 s10, $0x1;
	s10 =	sld [smem:$0x3FB4];
	_ =	sdelay $0x3  }
0x37: {  	[smem:$0x3FB4] =	sst s10  }
0x38: {  	s10 =	sld [smem:$0x3FB5]  }
0x39: {  	_ = 	snop;
	(pc) =	sbr.ind lr, $3  }
0x3a: {  	_ = 	snop  }
0x3b: {  	_ = 	snop  }
0x3c: {  	p2 =	seq.s32 s10, $0x1;
	s10 =	sld [smem:$0x3FB4]  }
0x3d: {  	_ =	shalt  }
0x3e: {  	_ =	shalt  }
0x3f: {  	_ =	shalt  }
0x40: {  	_ =	shalt  }
0x41: {  	_ =	shalt  }
0x42: {  	_ =	shalt  }
0x43: {  	_ =	shalt  }
0x44: {  	_ =	shalt  }
0x45: {  	_ =	shalt  }
0x46: {  	_ =	shalt  }
0x47: {  	_ =	shalt  }
0x48: {  	_ =	shalt  }
0x49: {  	_ =	shalt  }
0x4a: {  	_ =	shalt  }
0x4b: {  	_ =	shalt  }
0x4c: {  	_ =	shalt  }
0x4d: {  	_ =	shalt  }
0x4e: {  	_ =	shalt  }
0x4f: {  	_ =	shalt  }
0x50: {  	_ =	shalt  }
0x51: {  	_ =	shalt  }
0x52: {  	_ =	shalt  }
0x53: {  	_ =	shalt  }
0x54: {  	_ =	shalt  }
0x55: {  	_ =	shalt  }
0x56: {  	_ =	shalt  }
0x57: {  	_ =	shalt  }
0x58: {  	_ =	shalt  }
0x59: {  	_ =	shalt  }
0x5a: {  	_ =	shalt  }
0x5b: {  	_ =	shalt  }
0x5c: {  	_ =	shalt  }
0x5d: {  	_ =	shalt  }
0x5e: {  	_ =	shalt  }
0x5f: {  	_ =	shalt  }
0x60: {  	_ =	shalt  }
0x61: {  	_ =	shalt  }
0x62: {  	_ =	shalt  }
0x63: {  	_ =	shalt  }
0x64: {  	_ =	shalt  }
0x65: {  	_ =	shalt  }
0x66: {  	_ =	shalt  }
0x67: {  	_ =	shalt  }
0x68: {  	_ =	shalt  }
0x69: {  	_ =	shalt  }
0x6a: {  	_ =	shalt  }
0x6b: {  	_ =	shalt  }
0x6c: {  	_ =	shalt  }
0x6d: {  	_ =	shalt  }
0x6e: {  	_ =	shalt  }
0x6f: {  	_ =	shalt  }
0x70: {  	_ =	shalt  }
0x71: {  	_ =	shalt  }
0x72: {  	_ =	shalt  }
0x73: {  	_ =	shalt  }
0x74: {  	_ =	shalt  }
0x75: {  	_ =	shalt  }
0x76: {  	_ =	shalt  }
0x77: {  	_ =	shalt  }
0x78: {  	_ =	shalt  }
0x79: {  	_ =	shalt  }
0x7a: {  	_ =	shalt  }
0x7b: {  	_ =	shalt  }
0x7c: {  	_ =	shalt  }
0x7d: {  	_ =	shalt  }
0x7e: {  	_ =	shalt  }
0x7f: {  	_ =	shalt  }
0x80: {  	_ =	shalt  }
0x81: {  	_ =	shalt  }
0x82: {  	_ =	shalt  }
0x83: {  	_ =	shalt  }
0x84: {  	_ =	shalt  }
0x85: {  	_ =	shalt  }
0x86: {  	_ =	shalt  }
0x87: {  	_ =	shalt  }
.Lfunc_end0:
.L_simem_size_0:
called_computation.1_lowered:
.L_overlay_start_0:
0x88: {  	s2 =	sld [smem:$0x3FD9]  }
0x89: {  	s3 =	sld [smem:$0x3FFE];
	_ =	sdelay $0x1  }
0x8a: {  	s1 =	srdreg.scid  }
0x8b: {  	s0 =	sand.u32 $0x1, s1  }
0x8c: {  	s17 =	sshll.u32 s0, $0xA;
	s2 =	sadd.s32 s3, s2  }
0x8d: {  	s2 =	sadd.s32 s2, s17  }
0x8e: {  	[smem:$0x3FC0] =	sst s2  }
0x8f: {  	_ = 	snop  }
0x90: {  	s2 =	sld [smem:$0x3FD0];
	(tm) =	ssettm $0x1  }
0x91: {  	s18 =	sld [smem:$0x3FFB];
	_ =	sdelay $0x3  }
0x92: {  	_ =	strace s18  }
0x93: {  	s3 =	sld [smem:$0x3FFC];
	_ =	sdelay $0x3  }
0x94: {  	_ =	strace s3  }
0x95: {  	s3 =	sld [smem:$0x3FFD];
	_ =	sdelay $0x3  }
0x96: {  	_ =	strace s3  }
0x97: {  	_ =	strace $0x8FFFFFFF  }
0x98: {  	s19 =	sld [smem:$0x3FDB];
	_ =	sdelay $0x1  }
0x99: {  	s4 =	simm.s32 $_scs_section_size  }
0x9a: {  	s5 =	simm.s32 $_size__tile_overlayer_lowered;
	s6 =	simm.s32 $_tile_overlayer_lowered  }
0x9b: {  	s22 =	simm.s32 $0x1BFF;
	s21 =	sshll.u32 s6, $0x1;
	s3 =	sadd.s32 s4, s19  }
0x9c: {  	s7 =	simm.s32 $0x0;
	s20 =	sshll.u32 s5, $0x1;
	s5 =	sadd.s32 s21, s3  }
0x9d: {  	[timem:s7], [sflag:s22] =	dma.local [hbm:s5], s20  }
0x9e: {  	_ =	swait.ge [sflag:s22], s20  }
0x9f: {  	s4 =	ssub.s32 $0x0, s20;
	[sflag:s22] =	ssyncset.done $0x0  }
0xa0: {  	[sflag:s22] =	ssyncadd.s32 s4;
	_ =	sdelay $0x1  }
0xa1: {  	s23 =	simm.s32 $0x1B8B  }
0xa2: {  	_ =	swait.ge [sflag:s23], $0x1  }
0xa3: {  	[sflag:s23] =	ssyncset.done $0x0  }
0xa4: {  	s25 =	simm.s32 $0x1B8E;
	s24 =	sld [smem:$0x3FFE];
	[sflag:s23] =	ssyncadd.s32 $0xFFFFFFFF  }
0xa5: {  	s26 =	simm.s32 $execute0_lowered;
	[smem:$0x3FD2] =	sst s25  }
0xa6: {  	s5 =	sshll.u32 s26, $0x1;
	_ =	strace $0x80000049;
	[dreg:$0x1] =	wrdreg $0xFFFFFFFF  }
0xa7: {  	s28 =	simm.s32 $_size_execute0_lowered;
	s3 =	sadd.s32 s3, s5;
	[dreg:$0x0] =	wrdreg $0x0  }
0xa8: {  	s5 =	sshll.u32 s28, $0x1;
	[dreg:$0x2] =	wrdreg s3  }
0xa9: {  	[dreg:$0x3] =	wrdreg s5  }
0xaa: {  	[dreg:$0x4] =	wrdreg $0xC0  }
0xab: {  	_ =	task [dreg:s7], $0x5FFFF  }
0xac: {  	[dreg:$0x1] =	wrdreg $0xFFFFFFFF  }
0xad: {  	[dreg:$0x0] =	wrdreg $0x60  }
0xae: {  	[dreg:$0x2] =	wrdreg s24  }
0xaf: {  	[dreg:$0x3] =	wrdreg s2  }
0xb0: {  	[dreg:$0x4] =	wrdreg $0xA8000  }
0xb1: {  	[dreg:$0x5] =	wrdreg $0x9  }
0xb2: {  	_ =	task.clear_ibuf [dreg:s7], $0x6FFFF;
	_ =	strace $0x90000049  }
0xb3: {  	s29 =	simm.s32 $0x9;
	_ =	strace $0x8000004B  }
0xb4: {  	_ =	swait.ge [sflag:s29], $0x1  }
0xb5: {  	[sflag:s29] =	ssyncadd.s32 $0xFFFFFFFF  }
0xb6: {  	_ =	strace $0x9000004B  }
0xb7: {  	_ =	sfence  }
0xb8: {  	s30 =	sld [smem:$0x0];
	_ =	sdelay $0x2  }
0xb9: {  	s31 =	sshll.u32 s1, $0xD;
	s1 =	sshrl.u32 s1, $0x2  }
0xba: {  	s3 =	sand.u32 $0x4000, s31;
	s1 =	sadd.s32 s1, s30  }
0xbb: {  	s0 =	sor.u32 s3, s0;
	s1 =	sshll.u32 s1, $0x11  }
0xbc: {  	s0 =	sor.u32 s1, s0  }
0xbd: {  	s0 =	sadd.s32 $0x8F2B, s0  }
0xbe: {  	[sflag:s0] =	ssyncadd.remote.s32 $0x1  }
0xbf: {  	_ =	sfence.sel $0xFFFF  }
0xc0: {  	[dreg:$0x0] =	wrdreg $0xFFFFFFFF;
	(pc) =	sbr.abs _section_cstart, $3  }
0xc1: {  	[dreg:$0x1] =	wrdreg $0xFFFFFFFF  }
0xc2: {  	_ =	task.clear_ibuf [dreg:s7], $0x2FFFF;
	_ =	strace $0x9FFFFFFF  }
0xc3: {  	(tm) =	ssettm $0x7FFFFFFF  }
tec
execute0_lowered:
.L_overlay_start_1:
0x0: {  	(tag) =	ssettag $0x1  }
0x1: {  	s6 =	rddreg [dreg:$0x0]  }
0x2: {  	s2 =	rddreg [dreg:$0x1]  }
0x3: {  	s0 =	srdreg.scid;
	s3 =	rddreg [dreg:$0x2]  }
0x4: {  	s1 =	stileid.u32;
	s4 =	simm.s32 $0x0;
	s17 =	simm.s32 $0x1400  }
0x5: {  	s18 =	simm.s32 $0x7D;
	s19 =	simm.s32 $0x2800;
	s20 =	simm.s32 $0x6800  }
0x6: {  	s21 =	simm.s32 $0x1;
	s22 =	simm.s32 $0x2;
	s23 =	simm.s32 $0x1380  }
0x7: {  	s24 =	simm.s32 $0x2700;
	s25 =	simm.s32 $0x2780;
	s7 =	sand.u32 $0x1, s0  }
0x8: {  	[smem:$0x7FF] =	sst s4;
	s10 =	smul.u32 $0x50000, s1;
	s12 =	sadd.s32 $0x3D800, s6  }
0x9: {  	s14 =	sadd.s32 $0x12C000, s3;
	s16 =	smul.u32 $0x14000, s1;
	p0 =	seq.s32 s1, $0xF  }
0xa: {  	s5 =	sshll.u32 s7, $0x4;
	_ =	strace $0x8000004A;
	s9 =	ssub.s32 $0x2, s7  }
0xb: {  	s29 =	smul.u32 $0x138800, s7;
	s5 =	sor.u32 s1, s5;
	s26 =	sshrl.u32 s9, $0x1  }
0xc: {  	s28 =	sshrl.u32 s10, $0x2;
	s8 =	smul.u32 $0x2800, s5;
	s5 =	sadd.s32 $0x16600, s6  }
0xd: {  	s13 =	ssub.s32 s9, s26;
	s15 =	sadd.s32 s28, s3;
	s30 =	sadd.s32 s16, s29  }
0xe: {  	s10 =	sshrl.u32 s29, $0x3;
	s16 =	sshll.u32 @!p0 s1, $0x6;
	s8 =	sshrl.u32 s8, $0x3  }
0xf: {  	s26 =	simm.s32 $0x0;
	s31 =	sadd.s32 s12, s10;
	s11 =	sadd.s32 s8, s6  }
0x10: {  	s15 =	sshrl.u32 @!p0 s15, $0x3;
	s6 =	sadd.s32 $0x2600, s11;
	s7 =	sadd.s32 $0xC600, s11  }
0x11: {  	s8 =	sadd.s32 $0x2880, s11;
	s9 =	sadd.s32 $0xC880, s11;
	s11 =	sshrl.u32 s30, $0x3  }
0x12: {  	s10 =	sadd.s32 s12, s11;
	s11 =	sadd.s32 $0x25800, s31;
	s12 =	smax.u32 s13, $0x1  }
0x13: {  	s13 =	sshrl.u32 @p0 s14, $0x3;
	s14 =	sor.u32 @!p0 $0x1C03, s16;
	s16 =	simm.s32 $0x3  }
.LBB2_1:
0x14: {  	s28 =	simm.s32 @p0 $0x1FC3  }
0x15: {  	[spmem:s13], [sflag:s28] =	dma.local @p0 [hbm:s2], $0x1900  }
0x16: {  	s28 =	simm.s32 @p0 $0x3  }
0x17: {  	_ =	swait.ge @p0 [sflag:s28], $0x1900  }
0x18: {  	[sflag:s28] =	ssyncset.done @p0 $0x0  }
0x19: {  	[sflag:s28] =	ssyncadd.s32 @p0 $0xFFFFE700;
	s28 =	simm.s32 @!p0 $0x3  }
0x1a: {  	[spmem:s15], [sflag:s14] =	dma.local @!p0 [hbm:s2], $0x2800  }
0x1b: {  	_ =	swait.ge @!p0 [sflag:s28], $0x2800  }
0x1c: {  	[sflag:s28] =	ssyncset.done @!p0 $0x0  }
0x1d: {  	[sflag:s28] =	ssyncadd.s32 @!p0 $0xFFFFD800  }
0x1e: {  	[bflag:$0x0] =	sbarrier.arrive $0xFFFF  }
0x1f: {  	[tilespmem:s4], [sflag:$0x3] =	stream.linear.gather [hbm4b:s6+s4], $0x1400, $0x38;
	[tilespmem:$0x1E080] =	vst v63  }
0x20: {  	_ =	swait.ge [sflag:s16], $0x1400  }
0x21: {  	[sflag:s16] =	ssyncset.done $0x0  }
0x22: {  	[sflag:s16] =	ssyncadd.s32 $0xFFFFEC00  }
0x23: {  	[tilespmem:s17], [sflag:$0x3] =	stream.linear.gather [hbm4b:s7+s4], $0x1400, $0x38;
	[tilespmem:$0x1E080] =	vst v63  }
0x24: {  	_ =	swait.ge [sflag:s16], $0x1400  }
0x25: {  	[sflag:s16] =	ssyncset.done $0x0  }
0x26: {  	[sflag:s16] =	ssyncadd.s32 $0xFFFFEC00  }
0x27: {  	[tilespmem:s19], [sflag:$0x1] =	stream.indirect.gather [hbm4b:s5+s18], $0x80, s4, s18, $0xb8;
	[tilespmem:$0x1E080] =	vst v63  }
0x28: {  	s28 =	simm.s32 $0x80  }
0x29: {  	[tilespmem:s20], [sflag:$0x2] =	stream.indirect.gather [hbm4b:s5+s18], $0x80, s28, s18, $0xb8;
	[tilespmem:$0x1E080] =	vst v63  }
0x2a: {  	_ =	swait.ge [sflag:s21], $0x3E80  }
0x2b: {  	[sflag:s21] =	ssyncset.done $0x0  }
0x2c: {  	s28 =	simm.s32 $0x1400;
	[sflag:s21] =	ssyncadd.s32 $0xFFFFC180  }
0x2d: {  	[spmem:s3] =	stream.indirect.scatter.add.f32 [tilespmem:s19], [sflag:$0x3], $0x80, s28, s18, $0xb8;
	[tilespmem:$0x1E080] =	vst v63  }
0x2e: {  	_ =	swait.ge [sflag:s16], $0x3E80  }
0x2f: {  	[sflag:s16] =	ssyncset.done $0x0  }
0x30: {  	s28 =	simm.s32 $0x100;
	[sflag:s16] =	ssyncadd.s32 $0xFFFFC180  }
0x31: {  	[tilespmem:s19], [sflag:$0x1] =	stream.indirect.gather [hbm4b:s5+s18], $0x80, s28, s18, $0xb8;
	[tilespmem:$0x1E080] =	vst v63  }
0x32: {  	_ =	swait.ge [sflag:s22], $0x3E80  }
0x33: {  	[sflag:s22] =	ssyncset.done $0x0  }
0x34: {  	s28 =	simm.s32 $0x1480;
	[sflag:s22] =	ssyncadd.s32 $0xFFFFC180  }
0x35: {  	[spmem:s3] =	stream.indirect.scatter.add.f32 [tilespmem:s20], [sflag:$0x3], $0x80, s28, s18, $0xb8;
	[tilespmem:$0x1E080] =	vst v63  }
0x36: {  	_ =	swait.ge [sflag:s16], $0x3E80  }
0x37: {  	s29 =	simm.s32 $0x800;
	s28 =	simm.s32 $0x100;
	[sflag:s16] =	ssyncset.done $0x0  }
.LBB2_2:
0x38: {  	s30 =	sadd.s32 $0x80, s28  }
0x39: {  	[sflag:s16] =	ssyncadd.s32 $0xFFFFC180;
	s31 =	smov.u32 s29;
	s0 =	sadd.s32 $0x400, s29  }
0x3a: {  	[tilespmem:s20], [sflag:$0x2] =	stream.indirect.gather [hbm4b:s5+s18], $0x80, s30, s18, $0xb8;
	[tilespmem:$0x1E080] =	vst v63  }
0x3b: {  	p1 =	sne.s32 s29, $0x4800;
	_ =	swait.ge [sflag:s21], $0x3E80  }
0x3c: {  	[sflag:s21] =	ssyncset.done $0x0  }
0x3d: {  	s29 =	sadd.s32 $0x1400, s28;
	[sflag:s21] =	ssyncadd.s32 $0xFFFFC180  }
0x3e: {  	[spmem:s3] =	stream.indirect.scatter.add.f32 [tilespmem:s19], [sflag:$0x3], $0x80, s29, s18, $0xb8;
	[tilespmem:$0x1E080] =	vst v63  }
0x3f: {  	_ =	swait.ge [sflag:s16], $0x3E80  }
0x40: {  	[sflag:s16] =	ssyncset.done $0x0  }
0x41: {  	s29 =	sadd.s32 $0x100, s28;
	[sflag:s16] =	ssyncadd.s32 $0xFFFFC180  }
0x42: {  	[tilespmem:s19], [sflag:$0x1] =	stream.indirect.gather [hbm4b:s5+s18], $0x80, s29, s18, $0xb8;
	[tilespmem:$0x1E080] =	vst v63  }
0x43: {  	_ =	swait.ge [sflag:s22], $0x3E80  }
.Ltmp0:
0x44: {  	[sflag:s22] =	ssyncset.done $0x0;
	(pc) =	sbr.rel @p1 .LBB2_2-.Ltmp0, $4  }
0x45: {  	s28 =	sadd.s32 $0x1480, s28;
	[sflag:s22] =	ssyncadd.s32 $0xFFFFC180  }
0x46: {  	[spmem:s3] =	stream.indirect.scatter.add.f32 [tilespmem:s20], [sflag:$0x3], $0x80, s28, s18, $0xb8;
	[tilespmem:$0x1E080] =	vst v63  }
0x47: {  	_ =	swait.ge [sflag:s16], $0x3E80  }
0x48: {  	s29 =	smov.u32 s0;
	s28 =	sshra.s32 s31, $0x2;
	[sflag:s16] =	ssyncset.done $0x0  }
0x49: {  	s0 =	sadd.s32 $0x80, s28;
	[sflag:s16] =	ssyncadd.s32 $0xFFFFC180  }
0x4a: {  	[tilespmem:s20], [sflag:$0x2] =	stream.indirect.gather [hbm4b:s5+s18], $0x80, s0, s18, $0xb8;
	[tilespmem:$0x1E080] =	vst v63  }
0x4b: {  	_ =	swait.ge [sflag:s21], $0x3E80  }
0x4c: {  	[sflag:s21] =	ssyncset.done $0x0  }
0x4d: {  	s30 =	sadd.s32 $0x1400, s28;
	[sflag:s21] =	ssyncadd.s32 $0xFFFFC180  }
0x4e: {  	[spmem:s3] =	stream.indirect.scatter.add.f32 [tilespmem:s19], [sflag:$0x3], $0x80, s30, s18, $0xb8;
	[tilespmem:$0x1E080] =	vst v63  }
0x4f: {  	_ =	swait.ge [sflag:s16], $0x3E80  }
0x50: {  	[sflag:s16] =	ssyncset.done $0x0  }
0x51: {  	s31 =	sadd.s32 $0x100, s28;
	[sflag:s16] =	ssyncadd.s32 $0xFFFFC180  }
0x52: {  	[tilespmem:s19], [sflag:$0x1] =	stream.indirect.gather [hbm4b:s5+s18], $0x80, s31, s18, $0xb8;
	[tilespmem:$0x1E080] =	vst v63  }
0x53: {  	_ =	swait.ge [sflag:s22], $0x3E80  }
0x54: {  	[sflag:s22] =	ssyncset.done $0x0  }
0x55: {  	s30 =	sadd.s32 $0x1480, s28;
	[sflag:s22] =	ssyncadd.s32 $0xFFFFC180  }
0x56: {  	[spmem:s3] =	stream.indirect.scatter.add.f32 [tilespmem:s20], [sflag:$0x3], $0x80, s30, s18, $0xb8;
	[tilespmem:$0x1E080] =	vst v63  }
0x57: {  	_ =	swait.ge [sflag:s16], $0x3E80  }
0x58: {  	[sflag:s16] =	ssyncset.done $0x0  }
0x59: {  	[sflag:s16] =	ssyncadd.s32 $0xFFFFC180  }
0x5a: {  	[tilespmem:s20], [sflag:$0x2] =	stream.indirect.gather [hbm4b:s5+s18], $0x80, s23, s18, $0xb8;
	[tilespmem:$0x1E080] =	vst v63  }
0x5b: {  	_ =	swait.ge [sflag:s21], $0x3E80  }
0x5c: {  	[sflag:s21] =	ssyncset.done $0x0  }
0x5d: {  	[sflag:s21] =	ssyncadd.s32 $0xFFFFC180  }
0x5e: {  	[spmem:s3] =	stream.indirect.scatter.add.f32 [tilespmem:s19], [sflag:$0x3], $0x80, s24, s18, $0xb8;
	[tilespmem:$0x1E080] =	vst v63  }
0x5f: {  	_ =	swait.ge [sflag:s16], $0x3E80  }
0x60: {  	[sflag:s16] =	ssyncset.done $0x0  }
0x61: {  	[sflag:s16] =	ssyncadd.s32 $0xFFFFC180  }
0x62: {  	_ =	swait.ge [sflag:s22], $0x3E80  }
0x63: {  	[sflag:s22] =	ssyncset.done $0x0  }
0x64: {  	[sflag:s22] =	ssyncadd.s32 $0xFFFFC180  }
0x65: {  	[spmem:s3] =	stream.indirect.scatter.add.f32 [tilespmem:s20], [sflag:$0x3], $0x80, s25, s18, $0xb8;
	[tilespmem:$0x1E080] =	vst v63  }
0x66: {  	_ =	swait.ge [sflag:s16], $0x3E80  }
0x67: {  	[sflag:s16] =	ssyncset.done $0x0  }
0x68: {  	s31 =	simm.s32 $0x0;
	[sflag:s16] =	ssyncadd.s32 $0xFFFFC180  }
0x69: {  	[tilespmem:s31], [sflag:$0x3] =	stream.linear.gather [hbm4b:s8+s31], $0x1400, $0x38;
	[tilespmem:$0x1E080] =	vst v63  }
0x6a: {  	_ =	swait.ge [sflag:s16], $0x1400  }
0x6b: {  	[sflag:s16] =	ssyncset.done $0x0  }
0x6c: {  	[sflag:s16] =	ssyncadd.s32 $0xFFFFEC00  }
0x6d: {  	[tilespmem:s17], [sflag:$0x3] =	stream.linear.gather [hbm4b:s9+s31], $0x1400, $0x38;
	[tilespmem:$0x1E080] =	vst v63  }
0x6e: {  	_ =	swait.ge [sflag:s16], $0x1400  }
0x6f: {  	[sflag:s16] =	ssyncset.done $0x0  }
0x70: {  	[sflag:s16] =	ssyncadd.s32 $0xFFFFEC00  }
0x71: {  	[tilespmem:s19], [sflag:$0x1] =	stream.indirect.gather [hbm4b:s5+s18], $0x80, s31, s18, $0xb8;
	[tilespmem:$0x1E080] =	vst v63  }
0x72: {  	s30 =	simm.s32 $0x80  }
0x73: {  	[tilespmem:s20], [sflag:$0x2] =	stream.indirect.gather [hbm4b:s5+s18], $0x80, s30, s18, $0xb8;
	[tilespmem:$0x1E080] =	vst v63  }
0x74: {  	_ =	swait.ge [sflag:s21], $0x3E80  }
0x75: {  	[sflag:s21] =	ssyncset.done $0x0  }
0x76: {  	s31 =	simm.s32 $0x1400;
	[sflag:s21] =	ssyncadd.s32 $0xFFFFC180  }
0x77: {  	[spmem:s3] =	stream.indirect.scatter.add.f32 [tilespmem:s19], [sflag:$0x3], $0x80, s31, s18, $0xb8;
	[tilespmem:$0x1E080] =	vst v63  }
0x78: {  	_ =	swait.ge [sflag:s16], $0x3E80  }
0x79: {  	[sflag:s16] =	ssyncset.done $0x0  }
0x7a: {  	s30 =	simm.s32 $0x100;
	[sflag:s16] =	ssyncadd.s32 $0xFFFFC180  }
0x7b: {  	[tilespmem:s19], [sflag:$0x1] =	stream.indirect.gather [hbm4b:s5+s18], $0x80, s30, s18, $0xb8;
	[tilespmem:$0x1E080] =	vst v63  }
0x7c: {  	_ =	swait.ge [sflag:s22], $0x3E80  }
0x7d: {  	[sflag:s22] =	ssyncset.done $0x0  }
0x7e: {  	s31 =	simm.s32 $0x1480;
	[sflag:s22] =	ssyncadd.s32 $0xFFFFC180  }
0x7f: {  	[spmem:s3] =	stream.indirect.scatter.add.f32 [tilespmem:s20], [sflag:$0x3], $0x80, s31, s18, $0xb8;
	[tilespmem:$0x1E080] =	vst v63  }
0x80: {  	_ =	swait.ge [sflag:s16], $0x3E80  }
0x81: {  	s29 =	simm.s32 $0x800;
	s28 =	simm.s32 $0x100;
	[sflag:s16] =	ssyncset.done $0x0  }
.LBB2_4:
0x82: {  	s0 =	sadd.s32 $0x80, s28  }
0x83: {  	[sflag:s16] =	ssyncadd.s32 $0xFFFFC180;
	s30 =	smov.u32 s29;
	s31 =	sadd.s32 $0x400, s29  }
0x84: {  	[tilespmem:s20], [sflag:$0x2] =	stream.indirect.gather [hbm4b:s5+s18], $0x80, s0, s18, $0xb8;
	[tilespmem:$0x1E080] =	vst v63  }
0x85: {  	p1 =	sne.s32 s29, $0x4800;
	_ =	swait.ge [sflag:s21], $0x3E80  }
0x86: {  	[sflag:s21] =	ssyncset.done $0x0  }
0x87: {  	s0 =	sadd.s32 $0x1400, s28;
	[sflag:s21] =	ssyncadd.s32 $0xFFFFC180  }
0x88: {  	[spmem:s3] =	stream.indirect.scatter.add.f32 [tilespmem:s19], [sflag:$0x3], $0x80, s0, s18, $0xb8;
	[tilespmem:$0x1E080] =	vst v63  }
0x89: {  	_ =	swait.ge [sflag:s16], $0x3E80  }
0x8a: {  	[sflag:s16] =	ssyncset.done $0x0  }
0x8b: {  	s0 =	sadd.s32 $0x100, s28;
	[sflag:s16] =	ssyncadd.s32 $0xFFFFC180  }
0x8c: {  	[tilespmem:s19], [sflag:$0x1] =	stream.indirect.gather [hbm4b:s5+s18], $0x80, s0, s18, $0xb8;
	[tilespmem:$0x1E080] =	vst v63  }
0x8d: {  	_ =	swait.ge [sflag:s22], $0x3E80  }
.Ltmp1:
0x8e: {  	[sflag:s22] =	ssyncset.done $0x0;
	(pc) =	sbr.rel @p1 .LBB2_4-.Ltmp1, $4  }
0x8f: {  	s0 =	sadd.s32 $0x1480, s28;
	[sflag:s22] =	ssyncadd.s32 $0xFFFFC180  }
0x90: {  	[spmem:s3] =	stream.indirect.scatter.add.f32 [tilespmem:s20], [sflag:$0x3], $0x80, s0, s18, $0xb8;
	[tilespmem:$0x1E080] =	vst v63  }
0x91: {  	_ =	swait.ge [sflag:s16], $0x3E80  }
0x92: {  	s29 =	smov.u32 s31;
	s28 =	sshra.s32 s30, $0x2;
	[sflag:s16] =	ssyncset.done $0x0  }
0x93: {  	s0 =	sadd.s32 $0x80, s28;
	[sflag:s16] =	ssyncadd.s32 $0xFFFFC180  }
0x94: {  	[tilespmem:s20], [sflag:$0x2] =	stream.indirect.gather [hbm4b:s5+s18], $0x80, s0, s18, $0xb8;
	[tilespmem:$0x1E080] =	vst v63  }
0x95: {  	_ =	swait.ge [sflag:s21], $0x3E80  }
0x96: {  	[sflag:s21] =	ssyncset.done $0x0  }
0x97: {  	s29 =	sadd.s32 $0x1400, s28;
	[sflag:s21] =	ssyncadd.s32 $0xFFFFC180  }
0x98: {  	[spmem:s3] =	stream.indirect.scatter.add.f32 [tilespmem:s19], [sflag:$0x3], $0x80, s29, s18, $0xb8;
	[tilespmem:$0x1E080] =	vst v63  }
0x99: {  	_ =	swait.ge [sflag:s16], $0x3E80  }
0x9a: {  	[sflag:s16] =	ssyncset.done $0x0  }
0x9b: {  	s30 =	sadd.s32 $0x100, s28;
	[sflag:s16] =	ssyncadd.s32 $0xFFFFC180  }
0x9c: {  	[tilespmem:s19], [sflag:$0x1] =	stream.indirect.gather [hbm4b:s5+s18], $0x80, s30, s18, $0xb8;
	[tilespmem:$0x1E080] =	vst v63  }
0x9d: {  	_ =	swait.ge [sflag:s22], $0x3E80  }
0x9e: {  	[sflag:s22] =	ssyncset.done $0x0  }
0x9f: {  	s31 =	sadd.s32 $0x1480, s28;
	[sflag:s22] =	ssyncadd.s32 $0xFFFFC180  }
0xa0: {  	[spmem:s3] =	stream.indirect.scatter.add.f32 [tilespmem:s20], [sflag:$0x3], $0x80, s31, s18, $0xb8;
	[tilespmem:$0x1E080] =	vst v63  }
0xa1: {  	_ =	swait.ge [sflag:s16], $0x3E80  }
0xa2: {  	[sflag:s16] =	ssyncset.done $0x0  }
0xa3: {  	[sflag:s16] =	ssyncadd.s32 $0xFFFFC180  }
0xa4: {  	[tilespmem:s20], [sflag:$0x2] =	stream.indirect.gather [hbm4b:s5+s18], $0x80, s23, s18, $0xb8;
	[tilespmem:$0x1E080] =	vst v63  }
0xa5: {  	_ =	swait.ge [sflag:s21], $0x3E80  }
0xa6: {  	[sflag:s21] =	ssyncset.done $0x0  }
0xa7: {  	[sflag:s21] =	ssyncadd.s32 $0xFFFFC180  }
0xa8: {  	[spmem:s3] =	stream.indirect.scatter.add.f32 [tilespmem:s19], [sflag:$0x3], $0x80, s24, s18, $0xb8;
	[tilespmem:$0x1E080] =	vst v63  }
0xa9: {  	_ =	swait.ge [sflag:s16], $0x3E80  }
0xaa: {  	[sflag:s16] =	ssyncset.done $0x0  }
0xab: {  	[sflag:s16] =	ssyncadd.s32 $0xFFFFC180  }
0xac: {  	_ =	swait.ge [sflag:s22], $0x3E80  }
0xad: {  	[sflag:s22] =	ssyncset.done $0x0  }
0xae: {  	[sflag:s22] =	ssyncadd.s32 $0xFFFFC180  }
0xaf: {  	[spmem:s3] =	stream.indirect.scatter.add.f32 [tilespmem:s20], [sflag:$0x3], $0x80, s25, s18, $0xb8;
	[tilespmem:$0x1E080] =	vst v63  }
0xb0: {  	_ =	swait.ge [sflag:s16], $0x3E80  }
0xb1: {  	[sflag:s16] =	ssyncset.done $0x0  }
0xb2: {  	[sflag:s16] =	ssyncadd.s32 $0xFFFFC180  }
0xb3: {  	s0 =	simm.s32 @p0 $0x1FC3;
	[bflag:$0x0] =	sbarrier.arrive $0xFFFF  }
0xb4: {  	[hbm:s11], [sflag:s0] =	dma.local @p0 [spmem:s13], $0x1900  }
0xb5: {  	s0 =	simm.s32 @p0 $0x3  }
0xb6: {  	s26 =	sadd.s32 $0x1, s26;
	_ =	swait.ge @p0 [sflag:s0], $0x1900  }
0xb7: {  	p1 =	sne.s32 s26, s12;
	[sflag:s0] =	ssyncset.done @p0 $0x0  }
.Ltmp2:
0xb8: {  	[sflag:s0] =	ssyncadd.s32 @p0 $0xFFFFE700;
	s0 =	simm.s32 @!p0 $0x3;
	(pc) =	sbr.rel @p1 .LBB2_1-.Ltmp2, $4  }
0xb9: {  	[hbm:s10], [sflag:s14] =	dma.local @!p0 [spmem:s15], $0x2800  }
0xba: {  	_ =	swait.ge @!p0 [sflag:s0], $0x2800  }
0xbb: {  	[sflag:s0] =	ssyncset.done @!p0 $0x0  }
0xbc: {  	[sflag:s0] =	ssyncadd.s32 @!p0 $0xFFFFD800  }
0xbd: {  	_ =	sfence.sel $0x180000  }
0xbe: {  	[bflag:$0x0] =	sbarrier.arrive $0xFFFF  }
0xbf: {  	_ =	strace $0x9000004A  }
0xc0: {  	[bflag:$0x2] =	sbarrier.arrive $0xFFFF  }
0xc1: {  	p0 =	sne.s32 s1, $0x0;
	s0 =	rddreg [dreg:$0x3]  }
0xc2: {  	s0 =	sadd.s32 @!p0 $0x100000, s0  }
0xc3: {  	[sflag:s0] =	ssyncadd.tile.s32 @!p0 $0x1;
	_ =	shalt  }
.Lfunc_end2:
_tile_overlayer_lowered:
.L_overlay_start_2:
0xc4: {  	(tag) =	ssettag $0x2  }
0xc5: {  	s0 =	rddreg [dreg:$0x0];
	s2 =	stileid.u32  }
0xc6: {  	s1 =	rddreg [dreg:$0x1];
	p0 =	sne.s32 s2, $0x0  }
0xc7: {  	s3 =	rddreg [dreg:$0x2];
	[bflag:$0x3] =	sbarrier.arrive $0xFFFF;
	s2 =	simm.s32 @!p0 $0x1C03  }
0xc8: {  	[timem:s3], [sflag:s2] =	dma.local @!p0 [hbm:s0], s1  }
0xc9: {  	s0 =	simm.s32 @!p0 $0x3  }
0xca: {  	_ =	swait.ge @!p0 [sflag:s0], s1  }
0xcb: {  	s1 =	ssub.s32 @!p0 $0x0, s1;
	[sflag:s0] =	ssyncset.done @!p0 $0x0  }
0xcc: {  	[sflag:s0] =	ssyncadd.s32 @!p0 s1  }
0xcd: {  	[bflag:$0x3] =	sbarrier.arrive $0xFFFF  }
0xce: {  	_ =	shalt  }

// kernel: kernel.15.cloned.1.call-start
scs
__scs_entry_jumppad:
0x0: {  	(pc) =	sbr.rel $0x88, $3  }
0x1: {  	(tag) =	ssettag $0x0;
	lr =	simm.s32 $0x1  }
0x2: {  	[smem:$0x3F99] =	sst lr;
	_ =	strace $0xD0000000  }
0x3: {  	_ = 	snop  }
0x4: {  	_ = 	snop  }
0x5: {  	_ = 	snop  }
0x6: {  	_ = 	snop  }
0x7: {  	_ = 	snop  }
__scs_overlays_trampoline_lowered:
0x8: {  	[smem:$0x3FA8] =	sst s0  }
0x9: {  	[smem:$0x3FA9] =	sst s1  }
0xa: {  	[smem:$0x3FAA] =	sst s2  }
0xb: {  	[smem:$0x3FAB] =	sst s3  }
0xc: {  	[smem:$0x3FAC] =	sst s4  }
0xd: {  	[smem:$0x3FAD] =	sst s5  }
0xe: {  	[smem:$0x3FAE] =	sst s6  }
0xf: {  	[smem:$0x3FAF] =	sst s7  }
0x10: {  	[smem:$0x3FB0] =	sst s8  }
0x11: {  	[smem:$0x3FB1] =	sst s9;
	s0 =	simm.s32 @!p0 $0x0  }
0x12: {  	s1 =	sld [smem:$0x3F97];
	s0 =	simm.s32 @p0 $0x1  }
0x13: {  	[smem:$0x3FB2] =	sst s0;
	s0 =	simm.s32 @!p1 $0x0  }
0x14: {  	s2 =	sld [smem:$0x3F96];
	s0 =	simm.s32 @p1 $0x1  }
0x15: {  	[smem:$0x3FB3] =	sst s0;
	s0 =	simm.s32 @!p2 $0x0  }
0x16: {  	s3 =	sld [smem:$0x3FDB];
	s0 =	simm.s32 @p2 $0x1  }
0x17: {  	s4 =	simm.s32 $0x1BF5;
	[smem:$0x3FB5] =	sst s0  }
0x18: {  	s0 =	sld [smem:$0x3F98];
	_ =	swait.ge [sflag:s4], $0x0  }
0x19: {  	s7 =	sld [smem:$0x3F99]  }
0x1a: {  	s8 =	sadd.s32 $0xFFFFE003, lr  }
0x1b: {  	s9 =	sadd.s32 $0xFFFFFEF7, lr;
	s5 =	simm.s32 $0xFFFFFFFF;
	p2 =	slt.u32 s8, $0xFFFFF086  }
0x1c: {  	p1 =	slt.u32 s9, $0xF7A;
	s5 =	simm.s32 @!p2 $0x0  }
0x1d: {  	s5 =	simm.s32 @p1 $0x1;
	p0 =	seq.s32 s7, s2  }
0x1e: {  	s7 =	smul.u32 @!p0 $0xF7A, s2;
	p2 =	seq.s32 @!p0 s5, $0x0  }
0x1f: {  	s9 =	smul.u32 $0xF7A, s1;
	s8 =	simm.s32 @!p0 $0x1BF5;
	p2 =	por !p2, p0  }
0x20: {  	[sflag:s8] =	ssyncset.s32 @!p0 $0xFFFFF086;
	s6 =	sadd.s32 @!p0 s3, s7;
	s7 =	simm.s32 @!p0 $0x108  }
0x21: {  	s3 =	sadd.s32 s3, s9;
	s6 =	sadd.s32 @!p0 $0x88, s6;
	s7 =	simm.s32 @p2 $0x1082  }
0x22: {  	[simem:s7], [sflag:s8] =	dma.local @!p0 [hbm:s6], $0xF7A  }
0x23: {  	s9 =	sor.u32 $0xD0000000, s2;
	s6 =	simm.s32 $0x108;
	_ =	swait.ge @!p0 [sflag:s8], $0x0  }
0x24: {  	s3 =	sadd.s32 $0x88, s3;
	s6 =	simm.s32 @!p1 $0x1082;
	[sflag:s4] =	ssyncset.s32 $0xFFFFF086  }
0x25: {  	[simem:s6], [sflag:s4] =	dma.local [hbm:s3], $0xF7A  }
0x26: {  	[smem:$0x3F99] =	sst s1;
	(tag) =	ssettag s2;
	_ =	strace s9  }
0x27: {  	s1 =	sld [smem:$0x3FA9]  }
0x28: {  	s2 =	sld [smem:$0x3FAA]  }
0x29: {  	s4 =	sld [smem:$0x3FAC]  }
0x2a: {  	p0 =	seq.s32 s5, $0x0;
	s5 =	sld [smem:$0x3FAD]  }
0x2b: {  	s6 =	sld [smem:$0x3FAE]  }
0x2c: {  	s7 =	sld [smem:$0x3FAF]  }
0x2d: {  	s3 =	simm.s32 $0x108;
	s8 =	sld [smem:$0x3FB0]  }
0x2e: {  	s3 =	simm.s32 @!p0 $0x1082;
	s9 =	sld [smem:$0x3FB1]  }
0x2f: {  	lr =	sadd.s32 s0, s3;
	s0 =	sld [smem:$0x3FA8]  }
0x30: {  	s3 =	sld [smem:$0x3FAB]  }
0x31: {  	[smem:$0x3FB4] =	sst s10  }
0x32: {  	s10 =	sld [smem:$0x3FB2];
	_ =	sdelay $0x3  }
0x33: {  	p0 =	seq.s32 s10, $0x1;
	s10 =	sld [smem:$0x3FB4];
	_ =	sdelay $0x3  }
0x34: {  	[smem:$0x3FB4] =	sst s10  }
0x35: {  	s10 =	sld [smem:$0x3FB3];
	_ =	sdelay $0x3  }
0x36: {  	p1 =	seq.s32 s10, $0x1;
	s10 =	sld [smem:$0x3FB4];
	_ =	sdelay $0x3  }
0x37: {  	[smem:$0x3FB4] =	sst s10  }
0x38: {  	s10 =	sld [smem:$0x3FB5]  }
0x39: {  	_ = 	snop;
	(pc) =	sbr.ind lr, $3  }
0x3a: {  	_ = 	snop  }
0x3b: {  	_ = 	snop  }
0x3c: {  	p2 =	seq.s32 s10, $0x1;
	s10 =	sld [smem:$0x3FB4]  }
0x3d: {  	_ =	shalt  }
0x3e: {  	_ =	shalt  }
0x3f: {  	_ =	shalt  }
0x40: {  	_ =	shalt  }
0x41: {  	_ =	shalt  }
0x42: {  	_ =	shalt  }
0x43: {  	_ =	shalt  }
0x44: {  	_ =	shalt  }
0x45: {  	_ =	shalt  }
0x46: {  	_ =	shalt  }
0x47: {  	_ =	shalt  }
0x48: {  	_ =	shalt  }
0x49: {  	_ =	shalt  }
0x4a: {  	_ =	shalt  }
0x4b: {  	_ =	shalt  }
0x4c: {  	_ =	shalt  }
0x4d: {  	_ =	shalt  }
0x4e: {  	_ =	shalt  }
0x4f: {  	_ =	shalt  }
0x50: {  	_ =	shalt  }
0x51: {  	_ =	shalt  }
0x52: {  	_ =	shalt  }
0x53: {  	_ =	shalt  }
0x54: {  	_ =	shalt  }
0x55: {  	_ =	shalt  }
0x56: {  	_ =	shalt  }
0x57: {  	_ =	shalt  }
0x58: {  	_ =	shalt  }
0x59: {  	_ =	shalt  }
0x5a: {  	_ =	shalt  }
0x5b: {  	_ =	shalt  }
0x5c: {  	_ =	shalt  }
0x5d: {  	_ =	shalt  }
0x5e: {  	_ =	shalt  }
0x5f: {  	_ =	shalt  }
0x60: {  	_ =	shalt  }
0x61: {  	_ =	shalt  }
0x62: {  	_ =	shalt  }
0x63: {  	_ =	shalt  }
0x64: {  	_ =	shalt  }
0x65: {  	_ =	shalt  }
0x66: {  	_ =	shalt  }
0x67: {  	_ =	shalt  }
0x68: {  	_ =	shalt  }
0x69: {  	_ =	shalt  }
0x6a: {  	_ =	shalt  }
0x6b: {  	_ =	shalt  }
0x6c: {  	_ =	shalt  }
0x6d: {  	_ =	shalt  }
0x6e: {  	_ =	shalt  }
0x6f: {  	_ =	shalt  }
0x70: {  	_ =	shalt  }
0x71: {  	_ =	shalt  }
0x72: {  	_ =	shalt  }
0x73: {  	_ =	shalt  }
0x74: {  	_ =	shalt  }
0x75: {  	_ =	shalt  }
0x76: {  	_ =	shalt  }
0x77: {  	_ =	shalt  }
0x78: {  	_ =	shalt  }
0x79: {  	_ =	shalt  }
0x7a: {  	_ =	shalt  }
0x7b: {  	_ =	shalt  }
0x7c: {  	_ =	shalt  }
0x7d: {  	_ =	shalt  }
0x7e: {  	_ =	shalt  }
0x7f: {  	_ =	shalt  }
0x80: {  	_ =	shalt  }
0x81: {  	_ =	shalt  }
0x82: {  	_ =	shalt  }
0x83: {  	_ =	shalt  }
0x84: {  	_ =	shalt  }
0x85: {  	_ =	shalt  }
0x86: {  	_ =	shalt  }
0x87: {  	_ =	shalt  }
.Lfunc_end0:
.L_simem_size_0:
called_computation.2_lowered:
.L_overlay_start_0:
0x88: {  	s2 =	sld [smem:$0x3FD9]  }
0x89: {  	s3 =	sld [smem:$0x3FFE];
	_ =	sdelay $0x1  }
0x8a: {  	s1 =	srdreg.scid  }
0x8b: {  	s0 =	sand.u32 $0x1, s1  }
0x8c: {  	s17 =	sshll.u32 s0, $0xA;
	s2 =	sadd.s32 s3, s2  }
0x8d: {  	s2 =	sadd.s32 s2, s17  }
0x8e: {  	[smem:$0x3FC0] =	sst s2  }
0x8f: {  	_ = 	snop  }
0x90: {  	s2 =	sld [smem:$0x3FD0];
	(tm) =	ssettm $0x1  }
0x91: {  	s18 =	sld [smem:$0x3FFB];
	_ =	sdelay $0x3  }
0x92: {  	_ =	strace s18  }
0x93: {  	s3 =	sld [smem:$0x3FFC];
	_ =	sdelay $0x3  }
0x94: {  	_ =	strace s3  }
0x95: {  	s3 =	sld [smem:$0x3FFD];
	_ =	sdelay $0x3  }
0x96: {  	_ =	strace s3  }
0x97: {  	_ =	strace $0x8FFFFFFF  }
0x98: {  	s19 =	sld [smem:$0x3FDB];
	_ =	sdelay $0x1  }
0x99: {  	s4 =	simm.s32 $_scs_section_size  }
0x9a: {  	s5 =	simm.s32 $_size__tile_overlayer_lowered;
	s6 =	simm.s32 $_tile_overlayer_lowered  }
0x9b: {  	s22 =	simm.s32 $0x1BFF;
	s21 =	sshll.u32 s6, $0x1;
	s3 =	sadd.s32 s4, s19  }
0x9c: {  	s7 =	simm.s32 $0x0;
	s20 =	sshll.u32 s5, $0x1;
	s5 =	sadd.s32 s21, s3  }
0x9d: {  	[timem:s7], [sflag:s22] =	dma.local [hbm:s5], s20  }
0x9e: {  	_ =	swait.ge [sflag:s22], s20  }
0x9f: {  	s4 =	ssub.s32 $0x0, s20;
	[sflag:s22] =	ssyncset.done $0x0  }
0xa0: {  	[sflag:s22] =	ssyncadd.s32 s4;
	_ =	sdelay $0x1  }
0xa1: {  	s23 =	simm.s32 $0x1B8B  }
0xa2: {  	_ =	swait.ge [sflag:s23], $0x1  }
0xa3: {  	[sflag:s23] =	ssyncset.done $0x0  }
0xa4: {  	s25 =	simm.s32 $0x1B8E;
	s24 =	sld [smem:$0x3FFE];
	[sflag:s23] =	ssyncadd.s32 $0xFFFFFFFF  }
0xa5: {  	s26 =	simm.s32 $execute0_lowered;
	[smem:$0x3FD2] =	sst s25  }
0xa6: {  	s5 =	sshll.u32 s26, $0x1;
	_ =	strace $0x8000004C;
	[dreg:$0x1] =	wrdreg $0xFFFFFFFF  }
0xa7: {  	s28 =	simm.s32 $_size_execute0_lowered;
	s3 =	sadd.s32 s3, s5;
	[dreg:$0x0] =	wrdreg $0x0  }
0xa8: {  	s5 =	sshll.u32 s28, $0x1;
	[dreg:$0x2] =	wrdreg s3  }
0xa9: {  	[dreg:$0x3] =	wrdreg s5  }
0xaa: {  	[dreg:$0x4] =	wrdreg $0xC0  }
0xab: {  	_ =	task [dreg:s7], $0x5FFFF  }
0xac: {  	[dreg:$0x1] =	wrdreg $0xFFFFFFFF  }
0xad: {  	[dreg:$0x0] =	wrdreg $0x60  }
0xae: {  	[dreg:$0x2] =	wrdreg s24  }
0xaf: {  	[dreg:$0x3] =	wrdreg s2  }
0xb0: {  	[dreg:$0x4] =	wrdreg $0xA8000  }
0xb1: {  	[dreg:$0x5] =	wrdreg $0x9  }
0xb2: {  	_ =	task.clear_ibuf [dreg:s7], $0x6FFFF;
	_ =	strace $0x9000004C  }
0xb3: {  	s29 =	simm.s32 $0x9;
	_ =	strace $0x8000004E  }
0xb4: {  	_ =	swait.ge [sflag:s29], $0x1  }
0xb5: {  	[sflag:s29] =	ssyncadd.s32 $0xFFFFFFFF  }
0xb6: {  	_ =	strace $0x9000004E  }
0xb7: {  	_ =	sfence  }
0xb8: {  	s30 =	sld [smem:$0x0];
	_ =	sdelay $0x2  }
0xb9: {  	s31 =	sshll.u32 s1, $0xD;
	s1 =	sshrl.u32 s1, $0x2  }
0xba: {  	s3 =	sand.u32 $0x4000, s31;
	s1 =	sadd.s32 s1, s30  }
0xbb: {  	s0 =	sor.u32 s3, s0;
	s1 =	sshll.u32 s1, $0x11  }
0xbc: {  	s0 =	sor.u32 s1, s0  }
0xbd: {  	s0 =	sadd.s32 $0x8F2B, s0  }
0xbe: {  	[sflag:s0] =	ssyncadd.remote.s32 $0x1  }
0xbf: {  	_ =	sfence.sel $0xFFFF  }
0xc0: {  	[dreg:$0x0] =	wrdreg $0xFFFFFFFF;
	(pc) =	sbr.abs _section_cstart, $3  }
0xc1: {  	[dreg:$0x1] =	wrdreg $0xFFFFFFFF  }
0xc2: {  	_ =	task.clear_ibuf [dreg:s7], $0x2FFFF;
	_ =	strace $0x9FFFFFFF  }
0xc3: {  	(tm) =	ssettm $0x7FFFFFFF  }
tec
execute0_lowered:
.L_overlay_start_1:
0x0: {  	(tag) =	ssettag $0x1  }
0x1: {  	s6 =	rddreg [dreg:$0x0]  }
0x2: {  	s2 =	rddreg [dreg:$0x1]  }
0x3: {  	s0 =	srdreg.scid;
	s3 =	rddreg [dreg:$0x2]  }
0x4: {  	s1 =	stileid.u32;
	s4 =	simm.s32 $0x0;
	s17 =	simm.s32 $0x1400  }
0x5: {  	s18 =	simm.s32 $0x7D;
	s19 =	simm.s32 $0x2800;
	s20 =	simm.s32 $0x6800  }
0x6: {  	s21 =	simm.s32 $0x1;
	s22 =	simm.s32 $0x2;
	s23 =	simm.s32 $0x1380  }
0x7: {  	s24 =	simm.s32 $0x2700;
	s25 =	simm.s32 $0x2780;
	s7 =	sand.u32 $0x1, s0  }
0x8: {  	[smem:$0x7FF] =	sst s4;
	s10 =	smul.u32 $0x50000, s1;
	s12 =	sadd.s32 $0x3D800, s6  }
0x9: {  	s14 =	sadd.s32 $0x12C000, s3;
	s16 =	smul.u32 $0x14000, s1;
	p0 =	seq.s32 s1, $0xF  }
0xa: {  	s5 =	sshll.u32 s7, $0x4;
	_ =	strace $0x8000004D;
	s9 =	ssub.s32 $0x2, s7  }
0xb: {  	s29 =	smul.u32 $0x138800, s7;
	s5 =	sor.u32 s1, s5;
	s26 =	sshrl.u32 s9, $0x1  }
0xc: {  	s28 =	sshrl.u32 s10, $0x2;
	s8 =	smul.u32 $0x2800, s5;
	s5 =	sadd.s32 $0x16600, s6  }
0xd: {  	s13 =	ssub.s32 s9, s26;
	s15 =	sadd.s32 s28, s3;
	s30 =	sadd.s32 s16, s29  }
0xe: {  	s10 =	sshrl.u32 s29, $0x3;
	s16 =	sshll.u32 @!p0 s1, $0x6;
	s8 =	sshrl.u32 s8, $0x3  }
0xf: {  	s26 =	simm.s32 $0x0;
	s31 =	sadd.s32 s12, s10;
	s11 =	sadd.s32 s8, s6  }
0x10: {  	s15 =	sshrl.u32 @!p0 s15, $0x3;
	s6 =	sadd.s32 $0x2600, s11;
	s7 =	sadd.s32 $0xC600, s11  }
0x11: {  	s8 =	sadd.s32 $0x2880, s11;
	s9 =	sadd.s32 $0xC880, s11;
	s11 =	sshrl.u32 s30, $0x3  }
0x12: {  	s10 =	sadd.s32 s12, s11;
	s11 =	sadd.s32 $0x25800, s31;
	s12 =	smax.u32 s13, $0x1  }
0x13: {  	s13 =	sshrl.u32 @p0 s14, $0x3;
	s14 =	sor.u32 @!p0 $0x1C03, s16;
	s16 =	simm.s32 $0x3  }
.LBB2_1:
0x14: {  	s28 =	simm.s32 @p0 $0x1FC3  }
0x15: {  	[spmem:s13], [sflag:s28] =	dma.local @p0 [hbm:s2], $0x1900  }
0x16: {  	s28 =	simm.s32 @p0 $0x3  }
0x17: {  	_ =	swait.ge @p0 [sflag:s28], $0x1900  }
0x18: {  	[sflag:s28] =	ssyncset.done @p0 $0x0  }
0x19: {  	[sflag:s28] =	ssyncadd.s32 @p0 $0xFFFFE700;
	s28 =	simm.s32 @!p0 $0x3  }
0x1a: {  	[spmem:s15], [sflag:s14] =	dma.local @!p0 [hbm:s2], $0x2800  }
0x1b: {  	_ =	swait.ge @!p0 [sflag:s28], $0x2800  }
0x1c: {  	[sflag:s28] =	ssyncset.done @!p0 $0x0  }
0x1d: {  	[sflag:s28] =	ssyncadd.s32 @!p0 $0xFFFFD800  }
0x1e: {  	[bflag:$0x0] =	sbarrier.arrive $0xFFFF  }
0x1f: {  	[tilespmem:s4], [sflag:$0x3] =	stream.linear.gather [hbm4b:s6+s4], $0x1400, $0x38;
	[tilespmem:$0x1E080] =	vst v63  }
0x20: {  	_ =	swait.ge [sflag:s16], $0x1400  }
0x21: {  	[sflag:s16] =	ssyncset.done $0x0  }
0x22: {  	[sflag:s16] =	ssyncadd.s32 $0xFFFFEC00  }
0x23: {  	[tilespmem:s17], [sflag:$0x3] =	stream.linear.gather [hbm4b:s7+s4], $0x1400, $0x38;
	[tilespmem:$0x1E080] =	vst v63  }
0x24: {  	_ =	swait.ge [sflag:s16], $0x1400  }
0x25: {  	[sflag:s16] =	ssyncset.done $0x0  }
0x26: {  	[sflag:s16] =	ssyncadd.s32 $0xFFFFEC00  }
0x27: {  	[tilespmem:s19], [sflag:$0x1] =	stream.indirect.gather [hbm4b:s5+s18], $0x80, s4, s18, $0xb8;
	[tilespmem:$0x1E080] =	vst v63  }
0x28: {  	s28 =	simm.s32 $0x80  }
0x29: {  	[tilespmem:s20], [sflag:$0x2] =	stream.indirect.gather [hbm4b:s5+s18], $0x80, s28, s18, $0xb8;
	[tilespmem:$0x1E080] =	vst v63  }
0x2a: {  	_ =	swait.ge [sflag:s21], $0x3E80  }
0x2b: {  	[sflag:s21] =	ssyncset.done $0x0  }
0x2c: {  	s28 =	simm.s32 $0x1400;
	[sflag:s21] =	ssyncadd.s32 $0xFFFFC180  }
0x2d: {  	[spmem:s3] =	stream.indirect.scatter.add.f32 [tilespmem:s19], [sflag:$0x3], $0x80, s28, s18, $0xb8;
	[tilespmem:$0x1E080] =	vst v63  }
0x2e: {  	_ =	swait.ge [sflag:s16], $0x3E80  }
0x2f: {  	[sflag:s16] =	ssyncset.done $0x0  }
0x30: {  	s28 =	simm.s32 $0x100;
	[sflag:s16] =	ssyncadd.s32 $0xFFFFC180  }
0x31: {  	[tilespmem:s19], [sflag:$0x1] =	stream.indirect.gather [hbm4b:s5+s18], $0x80, s28, s18, $0xb8;
	[tilespmem:$0x1E080] =	vst v63  }
0x32: {  	_ =	swait.ge [sflag:s22], $0x3E80  }
0x33: {  	[sflag:s22] =	ssyncset.done $0x0  }
0x34: {  	s28 =	simm.s32 $0x1480;
	[sflag:s22] =	ssyncadd.s32 $0xFFFFC180  }
0x35: {  	[spmem:s3] =	stream.indirect.scatter.add.f32 [tilespmem:s20], [sflag:$0x3], $0x80, s28, s18, $0xb8;
	[tilespmem:$0x1E080] =	vst v63  }
0x36: {  	_ =	swait.ge [sflag:s16], $0x3E80  }
0x37: {  	s29 =	simm.s32 $0x800;
	s28 =	simm.s32 $0x100;
	[sflag:s16] =	ssyncset.done $0x0  }
.LBB2_2:
0x38: {  	s30 =	sadd.s32 $0x80, s28  }
0x39: {  	[sflag:s16] =	ssyncadd.s32 $0xFFFFC180;
	s31 =	smov.u32 s29;
	s0 =	sadd.s32 $0x400, s29  }
0x3a: {  	[tilespmem:s20], [sflag:$0x2] =	stream.indirect.gather [hbm4b:s5+s18], $0x80, s30, s18, $0xb8;
	[tilespmem:$0x1E080] =	vst v63  }
0x3b: {  	p1 =	sne.s32 s29, $0x4800;
	_ =	swait.ge [sflag:s21], $0x3E80  }
0x3c: {  	[sflag:s21] =	ssyncset.done $0x0  }
0x3d: {  	s29 =	sadd.s32 $0x1400, s28;
	[sflag:s21] =	ssyncadd.s32 $0xFFFFC180  }
0x3e: {  	[spmem:s3] =	stream.indirect.scatter.add.f32 [tilespmem:s19], [sflag:$0x3], $0x80, s29, s18, $0xb8;
	[tilespmem:$0x1E080] =	vst v63  }
0x3f: {  	_ =	swait.ge [sflag:s16], $0x3E80  }
0x40: {  	[sflag:s16] =	ssyncset.done $0x0  }
0x41: {  	s29 =	sadd.s32 $0x100, s28;
	[sflag:s16] =	ssyncadd.s32 $0xFFFFC180  }
0x42: {  	[tilespmem:s19], [sflag:$0x1] =	stream.indirect.gather [hbm4b:s5+s18], $0x80, s29, s18, $0xb8;
	[tilespmem:$0x1E080] =	vst v63  }
0x43: {  	_ =	swait.ge [sflag:s22], $0x3E80  }
.Ltmp0:
0x44: {  	[sflag:s22] =	ssyncset.done $0x0;
	(pc) =	sbr.rel @p1 .LBB2_2-.Ltmp0, $4  }
0x45: {  	s28 =	sadd.s32 $0x1480, s28;
	[sflag:s22] =	ssyncadd.s32 $0xFFFFC180  }
0x46: {  	[spmem:s3] =	stream.indirect.scatter.add.f32 [tilespmem:s20], [sflag:$0x3], $0x80, s28, s18, $0xb8;
	[tilespmem:$0x1E080] =	vst v63  }
0x47: {  	_ =	swait.ge [sflag:s16], $0x3E80  }
0x48: {  	s29 =	smov.u32 s0;
	s28 =	sshra.s32 s31, $0x2;
	[sflag:s16] =	ssyncset.done $0x0  }
0x49: {  	s0 =	sadd.s32 $0x80, s28;
	[sflag:s16] =	ssyncadd.s32 $0xFFFFC180  }
0x4a: {  	[tilespmem:s20], [sflag:$0x2] =	stream.indirect.gather [hbm4b:s5+s18], $0x80, s0, s18, $0xb8;
	[tilespmem:$0x1E080] =	vst v63  }
0x4b: {  	_ =	swait.ge [sflag:s21], $0x3E80  }
0x4c: {  	[sflag:s21] =	ssyncset.done $0x0  }
0x4d: {  	s30 =	sadd.s32 $0x1400, s28;
	[sflag:s21] =	ssyncadd.s32 $0xFFFFC180  }
0x4e: {  	[spmem:s3] =	stream.indirect.scatter.add.f32 [tilespmem:s19], [sflag:$0x3], $0x80, s30, s18, $0xb8;
	[tilespmem:$0x1E080] =	vst v63  }
0x4f: {  	_ =	swait.ge [sflag:s16], $0x3E80  }
0x50: {  	[sflag:s16] =	ssyncset.done $0x0  }
0x51: {  	s31 =	sadd.s32 $0x100, s28;
	[sflag:s16] =	ssyncadd.s32 $0xFFFFC180  }
0x52: {  	[tilespmem:s19], [sflag:$0x1] =	stream.indirect.gather [hbm4b:s5+s18], $0x80, s31, s18, $0xb8;
	[tilespmem:$0x1E080] =	vst v63  }
0x53: {  	_ =	swait.ge [sflag:s22], $0x3E80  }
0x54: {  	[sflag:s22] =	ssyncset.done $0x0  }
0x55: {  	s30 =	sadd.s32 $0x1480, s28;
	[sflag:s22] =	ssyncadd.s32 $0xFFFFC180  }
0x56: {  	[spmem:s3] =	stream.indirect.scatter.add.f32 [tilespmem:s20], [sflag:$0x3], $0x80, s30, s18, $0xb8;
	[tilespmem:$0x1E080] =	vst v63  }
0x57: {  	_ =	swait.ge [sflag:s16], $0x3E80  }
0x58: {  	[sflag:s16] =	ssyncset.done $0x0  }
0x59: {  	[sflag:s16] =	ssyncadd.s32 $0xFFFFC180  }
0x5a: {  	[tilespmem:s20], [sflag:$0x2] =	stream.indirect.gather [hbm4b:s5+s18], $0x80, s23, s18, $0xb8;
	[tilespmem:$0x1E080] =	vst v63  }
0x5b: {  	_ =	swait.ge [sflag:s21], $0x3E80  }
0x5c: {  	[sflag:s21] =	ssyncset.done $0x0  }
0x5d: {  	[sflag:s21] =	ssyncadd.s32 $0xFFFFC180  }
0x5e: {  	[spmem:s3] =	stream.indirect.scatter.add.f32 [tilespmem:s19], [sflag:$0x3], $0x80, s24, s18, $0xb8;
	[tilespmem:$0x1E080] =	vst v63  }
0x5f: {  	_ =	swait.ge [sflag:s16], $0x3E80  }
0x60: {  	[sflag:s16] =	ssyncset.done $0x0  }
0x61: {  	[sflag:s16] =	ssyncadd.s32 $0xFFFFC180  }
0x62: {  	_ =	swait.ge [sflag:s22], $0x3E80  }
0x63: {  	[sflag:s22] =	ssyncset.done $0x0  }
0x64: {  	[sflag:s22] =	ssyncadd.s32 $0xFFFFC180  }
0x65: {  	[spmem:s3] =	stream.indirect.scatter.add.f32 [tilespmem:s20], [sflag:$0x3], $0x80, s25, s18, $0xb8;
	[tilespmem:$0x1E080] =	vst v63  }
0x66: {  	_ =	swait.ge [sflag:s16], $0x3E80  }
0x67: {  	[sflag:s16] =	ssyncset.done $0x0  }
0x68: {  	s31 =	simm.s32 $0x0;
	[sflag:s16] =	ssyncadd.s32 $0xFFFFC180  }
0x69: {  	[tilespmem:s31], [sflag:$0x3] =	stream.linear.gather [hbm4b:s8+s31], $0x1400, $0x38;
	[tilespmem:$0x1E080] =	vst v63  }
0x6a: {  	_ =	swait.ge [sflag:s16], $0x1400  }
0x6b: {  	[sflag:s16] =	ssyncset.done $0x0  }
0x6c: {  	[sflag:s16] =	ssyncadd.s32 $0xFFFFEC00  }
0x6d: {  	[tilespmem:s17], [sflag:$0x3] =	stream.linear.gather [hbm4b:s9+s31], $0x1400, $0x38;
	[tilespmem:$0x1E080] =	vst v63  }
0x6e: {  	_ =	swait.ge [sflag:s16], $0x1400  }
0x6f: {  	[sflag:s16] =	ssyncset.done $0x0  }
0x70: {  	[sflag:s16] =	ssyncadd.s32 $0xFFFFEC00  }
0x71: {  	[tilespmem:s19], [sflag:$0x1] =	stream.indirect.gather [hbm4b:s5+s18], $0x80, s31, s18, $0xb8;
	[tilespmem:$0x1E080] =	vst v63  }
0x72: {  	s30 =	simm.s32 $0x80  }
0x73: {  	[tilespmem:s20], [sflag:$0x2] =	stream.indirect.gather [hbm4b:s5+s18], $0x80, s30, s18, $0xb8;
	[tilespmem:$0x1E080] =	vst v63  }
0x74: {  	_ =	swait.ge [sflag:s21], $0x3E80  }
0x75: {  	[sflag:s21] =	ssyncset.done $0x0  }
0x76: {  	s31 =	simm.s32 $0x1400;
	[sflag:s21] =	ssyncadd.s32 $0xFFFFC180  }
0x77: {  	[spmem:s3] =	stream.indirect.scatter.add.f32 [tilespmem:s19], [sflag:$0x3], $0x80, s31, s18, $0xb8;
	[tilespmem:$0x1E080] =	vst v63  }
0x78: {  	_ =	swait.ge [sflag:s16], $0x3E80  }
0x79: {  	[sflag:s16] =	ssyncset.done $0x0  }
0x7a: {  	s30 =	simm.s32 $0x100;
	[sflag:s16] =	ssyncadd.s32 $0xFFFFC180  }
0x7b: {  	[tilespmem:s19], [sflag:$0x1] =	stream.indirect.gather [hbm4b:s5+s18], $0x80, s30, s18, $0xb8;
	[tilespmem:$0x1E080] =	vst v63  }
0x7c: {  	_ =	swait.ge [sflag:s22], $0x3E80  }
0x7d: {  	[sflag:s22] =	ssyncset.done $0x0  }
0x7e: {  	s31 =	simm.s32 $0x1480;
	[sflag:s22] =	ssyncadd.s32 $0xFFFFC180  }
0x7f: {  	[spmem:s3] =	stream.indirect.scatter.add.f32 [tilespmem:s20], [sflag:$0x3], $0x80, s31, s18, $0xb8;
	[tilespmem:$0x1E080] =	vst v63  }
0x80: {  	_ =	swait.ge [sflag:s16], $0x3E80  }
0x81: {  	s29 =	simm.s32 $0x800;
	s28 =	simm.s32 $0x100;
	[sflag:s16] =	ssyncset.done $0x0  }
.LBB2_4:
0x82: {  	s0 =	sadd.s32 $0x80, s28  }
0x83: {  	[sflag:s16] =	ssyncadd.s32 $0xFFFFC180;
	s30 =	smov.u32 s29;
	s31 =	sadd.s32 $0x400, s29  }
0x84: {  	[tilespmem:s20], [sflag:$0x2] =	stream.indirect.gather [hbm4b:s5+s18], $0x80, s0, s18, $0xb8;
	[tilespmem:$0x1E080] =	vst v63  }
0x85: {  	p1 =	sne.s32 s29, $0x4800;
	_ =	swait.ge [sflag:s21], $0x3E80  }
0x86: {  	[sflag:s21] =	ssyncset.done $0x0  }
0x87: {  	s0 =	sadd.s32 $0x1400, s28;
	[sflag:s21] =	ssyncadd.s32 $0xFFFFC180  }
0x88: {  	[spmem:s3] =	stream.indirect.scatter.add.f32 [tilespmem:s19], [sflag:$0x3], $0x80, s0, s18, $0xb8;
	[tilespmem:$0x1E080] =	vst v63  }
0x89: {  	_ =	swait.ge [sflag:s16], $0x3E80  }
0x8a: {  	[sflag:s16] =	ssyncset.done $0x0  }
0x8b: {  	s0 =	sadd.s32 $0x100, s28;
	[sflag:s16] =	ssyncadd.s32 $0xFFFFC180  }
0x8c: {  	[tilespmem:s19], [sflag:$0x1] =	stream.indirect.gather [hbm4b:s5+s18], $0x80, s0, s18, $0xb8;
	[tilespmem:$0x1E080] =	vst v63  }
0x8d: {  	_ =	swait.ge [sflag:s22], $0x3E80  }
.Ltmp1:
0x8e: {  	[sflag:s22] =	ssyncset.done $0x0;
	(pc) =	sbr.rel @p1 .LBB2_4-.Ltmp1, $4  }
0x8f: {  	s0 =	sadd.s32 $0x1480, s28;
	[sflag:s22] =	ssyncadd.s32 $0xFFFFC180  }
0x90: {  	[spmem:s3] =	stream.indirect.scatter.add.f32 [tilespmem:s20], [sflag:$0x3], $0x80, s0, s18, $0xb8;
	[tilespmem:$0x1E080] =	vst v63  }
0x91: {  	_ =	swait.ge [sflag:s16], $0x3E80  }
0x92: {  	s29 =	smov.u32 s31;
	s28 =	sshra.s32 s30, $0x2;
	[sflag:s16] =	ssyncset.done $0x0  }
0x93: {  	s0 =	sadd.s32 $0x80, s28;
	[sflag:s16] =	ssyncadd.s32 $0xFFFFC180  }
0x94: {  	[tilespmem:s20], [sflag:$0x2] =	stream.indirect.gather [hbm4b:s5+s18], $0x80, s0, s18, $0xb8;
	[tilespmem:$0x1E080] =	vst v63  }
0x95: {  	_ =	swait.ge [sflag:s21], $0x3E80  }
0x96: {  	[sflag:s21] =	ssyncset.done $0x0  }
0x97: {  	s29 =	sadd.s32 $0x1400, s28;
	[sflag:s21] =	ssyncadd.s32 $0xFFFFC180  }
0x98: {  	[spmem:s3] =	stream.indirect.scatter.add.f32 [tilespmem:s19], [sflag:$0x3], $0x80, s29, s18, $0xb8;
	[tilespmem:$0x1E080] =	vst v63  }
0x99: {  	_ =	swait.ge [sflag:s16], $0x3E80  }
0x9a: {  	[sflag:s16] =	ssyncset.done $0x0  }
0x9b: {  	s30 =	sadd.s32 $0x100, s28;
	[sflag:s16] =	ssyncadd.s32 $0xFFFFC180  }
0x9c: {  	[tilespmem:s19], [sflag:$0x1] =	stream.indirect.gather [hbm4b:s5+s18], $0x80, s30, s18, $0xb8;
	[tilespmem:$0x1E080] =	vst v63  }
0x9d: {  	_ =	swait.ge [sflag:s22], $0x3E80  }
0x9e: {  	[sflag:s22] =	ssyncset.done $0x0  }
0x9f: {  	s31 =	sadd.s32 $0x1480, s28;
	[sflag:s22] =	ssyncadd.s32 $0xFFFFC180  }
0xa0: {  	[spmem:s3] =	stream.indirect.scatter.add.f32 [tilespmem:s20], [sflag:$0x3], $0x80, s31, s18, $0xb8;
	[tilespmem:$0x1E080] =	vst v63  }
0xa1: {  	_ =	swait.ge [sflag:s16], $0x3E80  }
0xa2: {  	[sflag:s16] =	ssyncset.done $0x0  }
0xa3: {  	[sflag:s16] =	ssyncadd.s32 $0xFFFFC180  }
0xa4: {  	[tilespmem:s20], [sflag:$0x2] =	stream.indirect.gather [hbm4b:s5+s18], $0x80, s23, s18, $0xb8;
	[tilespmem:$0x1E080] =	vst v63  }
0xa5: {  	_ =	swait.ge [sflag:s21], $0x3E80  }
0xa6: {  	[sflag:s21] =	ssyncset.done $0x0  }
0xa7: {  	[sflag:s21] =	ssyncadd.s32 $0xFFFFC180  }
0xa8: {  	[spmem:s3] =	stream.indirect.scatter.add.f32 [tilespmem:s19], [sflag:$0x3], $0x80, s24, s18, $0xb8;
	[tilespmem:$0x1E080] =	vst v63  }
0xa9: {  	_ =	swait.ge [sflag:s16], $0x3E80  }
0xaa: {  	[sflag:s16] =	ssyncset.done $0x0  }
0xab: {  	[sflag:s16] =	ssyncadd.s32 $0xFFFFC180  }
0xac: {  	_ =	swait.ge [sflag:s22], $0x3E80  }
0xad: {  	[sflag:s22] =	ssyncset.done $0x0  }
0xae: {  	[sflag:s22] =	ssyncadd.s32 $0xFFFFC180  }
0xaf: {  	[spmem:s3] =	stream.indirect.scatter.add.f32 [tilespmem:s20], [sflag:$0x3], $0x80, s25, s18, $0xb8;
	[tilespmem:$0x1E080] =	vst v63  }
0xb0: {  	_ =	swait.ge [sflag:s16], $0x3E80  }
0xb1: {  	[sflag:s16] =	ssyncset.done $0x0  }
0xb2: {  	[sflag:s16] =	ssyncadd.s32 $0xFFFFC180  }
0xb3: {  	s0 =	simm.s32 @p0 $0x1FC3;
	[bflag:$0x0] =	sbarrier.arrive $0xFFFF  }
0xb4: {  	[hbm:s11], [sflag:s0] =	dma.local @p0 [spmem:s13], $0x1900  }
0xb5: {  	s0 =	simm.s32 @p0 $0x3  }
0xb6: {  	s26 =	sadd.s32 $0x1, s26;
	_ =	swait.ge @p0 [sflag:s0], $0x1900  }
0xb7: {  	p1 =	sne.s32 s26, s12;
	[sflag:s0] =	ssyncset.done @p0 $0x0  }
.Ltmp2:
0xb8: {  	[sflag:s0] =	ssyncadd.s32 @p0 $0xFFFFE700;
	s0 =	simm.s32 @!p0 $0x3;
	(pc) =	sbr.rel @p1 .LBB2_1-.Ltmp2, $4  }
0xb9: {  	[hbm:s10], [sflag:s14] =	dma.local @!p0 [spmem:s15], $0x2800  }
0xba: {  	_ =	swait.ge @!p0 [sflag:s0], $0x2800  }
0xbb: {  	[sflag:s0] =	ssyncset.done @!p0 $0x0  }
0xbc: {  	[sflag:s0] =	ssyncadd.s32 @!p0 $0xFFFFD800  }
0xbd: {  	_ =	sfence.sel $0x180000  }
0xbe: {  	[bflag:$0x0] =	sbarrier.arrive $0xFFFF  }
0xbf: {  	_ =	strace $0x9000004D  }
0xc0: {  	[bflag:$0x2] =	sbarrier.arrive $0xFFFF  }
0xc1: {  	p0 =	sne.s32 s1, $0x0;
	s0 =	rddreg [dreg:$0x3]  }
0xc2: {  	s0 =	sadd.s32 @!p0 $0x100000, s0  }
0xc3: {  	[sflag:s0] =	ssyncadd.tile.s32 @!p0 $0x1;
	_ =	shalt  }
.Lfunc_end2:
_tile_overlayer_lowered:
.L_overlay_start_2:
0xc4: {  	(tag) =	ssettag $0x2  }
0xc5: {  	s0 =	rddreg [dreg:$0x0];
	s2 =	stileid.u32  }
0xc6: {  	s1 =	rddreg [dreg:$0x1];
	p0 =	sne.s32 s2, $0x0  }
0xc7: {  	s3 =	rddreg [dreg:$0x2];
	[bflag:$0x3] =	sbarrier.arrive $0xFFFF;
	s2 =	simm.s32 @!p0 $0x1C03  }
0xc8: {  	[timem:s3], [sflag:s2] =	dma.local @!p0 [hbm:s0], s1  }
0xc9: {  	s0 =	simm.s32 @!p0 $0x3  }
0xca: {  	_ =	swait.ge @!p0 [sflag:s0], s1  }
0xcb: {  	s1 =	ssub.s32 @!p0 $0x0, s1;
	[sflag:s0] =	ssyncset.done @!p0 $0x0  }
0xcc: {  	[sflag:s0] =	ssyncadd.s32 @!p0 s1  }
0xcd: {  	[bflag:$0x3] =	sbarrier.arrive $0xFFFF  }
0xce: {  	_ =	shalt  }

// kernel: kernel.9.cloned.1.call-start
scs
__scs_entry_jumppad:
0x0: {  	(pc) =	sbr.rel $0x88, $3  }
0x1: {  	(tag) =	ssettag $0x0;
	lr =	simm.s32 $0x1  }
0x2: {  	[smem:$0x3F99] =	sst lr;
	_ =	strace $0xD0000000  }
0x3: {  	_ = 	snop  }
0x4: {  	_ = 	snop  }
0x5: {  	_ = 	snop  }
0x6: {  	_ = 	snop  }
0x7: {  	_ = 	snop  }
__scs_overlays_trampoline_lowered:
0x8: {  	[smem:$0x3FA8] =	sst s0  }
0x9: {  	[smem:$0x3FA9] =	sst s1  }
0xa: {  	[smem:$0x3FAA] =	sst s2  }
0xb: {  	[smem:$0x3FAB] =	sst s3  }
0xc: {  	[smem:$0x3FAC] =	sst s4  }
0xd: {  	[smem:$0x3FAD] =	sst s5  }
0xe: {  	[smem:$0x3FAE] =	sst s6  }
0xf: {  	[smem:$0x3FAF] =	sst s7  }
0x10: {  	[smem:$0x3FB0] =	sst s8  }
0x11: {  	[smem:$0x3FB1] =	sst s9;
	s0 =	simm.s32 @!p0 $0x0  }
0x12: {  	s1 =	sld [smem:$0x3F97];
	s0 =	simm.s32 @p0 $0x1  }
0x13: {  	[smem:$0x3FB2] =	sst s0;
	s0 =	simm.s32 @!p1 $0x0  }
0x14: {  	s2 =	sld [smem:$0x3F96];
	s0 =	simm.s32 @p1 $0x1  }
0x15: {  	[smem:$0x3FB3] =	sst s0;
	s0 =	simm.s32 @!p2 $0x0  }
0x16: {  	s3 =	sld [smem:$0x3FDB];
	s0 =	simm.s32 @p2 $0x1  }
0x17: {  	s4 =	simm.s32 $0x1BF5;
	[smem:$0x3FB5] =	sst s0  }
0x18: {  	s0 =	sld [smem:$0x3F98];
	_ =	swait.ge [sflag:s4], $0x0  }
0x19: {  	s7 =	sld [smem:$0x3F99]  }
0x1a: {  	s8 =	sadd.s32 $0xFFFFE003, lr  }
0x1b: {  	s9 =	sadd.s32 $0xFFFFFEF7, lr;
	s5 =	simm.s32 $0xFFFFFFFF;
	p2 =	slt.u32 s8, $0xFFFFF086  }
0x1c: {  	p1 =	slt.u32 s9, $0xF7A;
	s5 =	simm.s32 @!p2 $0x0  }
0x1d: {  	s5 =	simm.s32 @p1 $0x1;
	p0 =	seq.s32 s7, s2  }
0x1e: {  	s7 =	smul.u32 @!p0 $0xF7A, s2;
	p2 =	seq.s32 @!p0 s5, $0x0  }
0x1f: {  	s9 =	smul.u32 $0xF7A, s1;
	s8 =	simm.s32 @!p0 $0x1BF5;
	p2 =	por !p2, p0  }
0x20: {  	[sflag:s8] =	ssyncset.s32 @!p0 $0xFFFFF086;
	s6 =	sadd.s32 @!p0 s3, s7;
	s7 =	simm.s32 @!p0 $0x108  }
0x21: {  	s3 =	sadd.s32 s3, s9;
	s6 =	sadd.s32 @!p0 $0x88, s6;
	s7 =	simm.s32 @p2 $0x1082  }
0x22: {  	[simem:s7], [sflag:s8] =	dma.local @!p0 [hbm:s6], $0xF7A  }
0x23: {  	s9 =	sor.u32 $0xD0000000, s2;
	s6 =	simm.s32 $0x108;
	_ =	swait.ge @!p0 [sflag:s8], $0x0  }
0x24: {  	s3 =	sadd.s32 $0x88, s3;
	s6 =	simm.s32 @!p1 $0x1082;
	[sflag:s4] =	ssyncset.s32 $0xFFFFF086  }
0x25: {  	[simem:s6], [sflag:s4] =	dma.local [hbm:s3], $0xF7A  }
0x26: {  	[smem:$0x3F99] =	sst s1;
	(tag) =	ssettag s2;
	_ =	strace s9  }
0x27: {  	s1 =	sld [smem:$0x3FA9]  }
0x28: {  	s2 =	sld [smem:$0x3FAA]  }
0x29: {  	s4 =	sld [smem:$0x3FAC]  }
0x2a: {  	p0 =	seq.s32 s5, $0x0;
	s5 =	sld [smem:$0x3FAD]  }
0x2b: {  	s6 =	sld [smem:$0x3FAE]  }
0x2c: {  	s7 =	sld [smem:$0x3FAF]  }
0x2d: {  	s3 =	simm.s32 $0x108;
	s8 =	sld [smem:$0x3FB0]  }
0x2e: {  	s3 =	simm.s32 @!p0 $0x1082;
	s9 =	sld [smem:$0x3FB1]  }
0x2f: {  	lr =	sadd.s32 s0, s3;
	s0 =	sld [smem:$0x3FA8]  }
0x30: {  	s3 =	sld [smem:$0x3FAB]  }
0x31: {  	[smem:$0x3FB4] =	sst s10  }
0x32: {  	s10 =	sld [smem:$0x3FB2];
	_ =	sdelay $0x3  }
0x33: {  	p0 =	seq.s32 s10, $0x1;
	s10 =	sld [smem:$0x3FB4];
	_ =	sdelay $0x3  }
0x34: {  	[smem:$0x3FB4] =	sst s10  }
0x35: {  	s10 =	sld [smem:$0x3FB3];
	_ =	sdelay $0x3  }
0x36: {  	p1 =	seq.s32 s10, $0x1;
	s10 =	sld [smem:$0x3FB4];
	_ =	sdelay $0x3  }
0x37: {  	[smem:$0x3FB4] =	sst s10  }
0x38: {  	s10 =	sld [smem:$0x3FB5]  }
0x39: {  	_ = 	snop;
	(pc) =	sbr.ind lr, $3  }
0x3a: {  	_ = 	snop  }
0x3b: {  	_ = 	snop  }
0x3c: {  	p2 =	seq.s32 s10, $0x1;
	s10 =	sld [smem:$0x3FB4]  }
0x3d: {  	_ =	shalt  }
0x3e: {  	_ =	shalt  }
0x3f: {  	_ =	shalt  }
0x40: {  	_ =	shalt  }
0x41: {  	_ =	shalt  }
0x42: {  	_ =	shalt  }
0x43: {  	_ =	shalt  }
0x44: {  	_ =	shalt  }
0x45: {  	_ =	shalt  }
0x46: {  	_ =	shalt  }
0x47: {  	_ =	shalt  }
0x48: {  	_ =	shalt  }
0x49: {  	_ =	shalt  }
0x4a: {  	_ =	shalt  }
0x4b: {  	_ =	shalt  }
0x4c: {  	_ =	shalt  }
0x4d: {  	_ =	shalt  }
0x4e: {  	_ =	shalt  }
0x4f: {  	_ =	shalt  }
0x50: {  	_ =	shalt  }
0x51: {  	_ =	shalt  }
0x52: {  	_ =	shalt  }
0x53: {  	_ =	shalt  }
0x54: {  	_ =	shalt  }
0x55: {  	_ =	shalt  }
0x56: {  	_ =	shalt  }
0x57: {  	_ =	shalt  }
0x58: {  	_ =	shalt  }
0x59: {  	_ =	shalt  }
0x5a: {  	_ =	shalt  }
0x5b: {  	_ =	shalt  }
0x5c: {  	_ =	shalt  }
0x5d: {  	_ =	shalt  }
0x5e: {  	_ =	shalt  }
0x5f: {  	_ =	shalt  }
0x60: {  	_ =	shalt  }
0x61: {  	_ =	shalt  }
0x62: {  	_ =	shalt  }
0x63: {  	_ =	shalt  }
0x64: {  	_ =	shalt  }
0x65: {  	_ =	shalt  }
0x66: {  	_ =	shalt  }
0x67: {  	_ =	shalt  }
0x68: {  	_ =	shalt  }
0x69: {  	_ =	shalt  }
0x6a: {  	_ =	shalt  }
0x6b: {  	_ =	shalt  }
0x6c: {  	_ =	shalt  }
0x6d: {  	_ =	shalt  }
0x6e: {  	_ =	shalt  }
0x6f: {  	_ =	shalt  }
0x70: {  	_ =	shalt  }
0x71: {  	_ =	shalt  }
0x72: {  	_ =	shalt  }
0x73: {  	_ =	shalt  }
0x74: {  	_ =	shalt  }
0x75: {  	_ =	shalt  }
0x76: {  	_ =	shalt  }
0x77: {  	_ =	shalt  }
0x78: {  	_ =	shalt  }
0x79: {  	_ =	shalt  }
0x7a: {  	_ =	shalt  }
0x7b: {  	_ =	shalt  }
0x7c: {  	_ =	shalt  }
0x7d: {  	_ =	shalt  }
0x7e: {  	_ =	shalt  }
0x7f: {  	_ =	shalt  }
0x80: {  	_ =	shalt  }
0x81: {  	_ =	shalt  }
0x82: {  	_ =	shalt  }
0x83: {  	_ =	shalt  }
0x84: {  	_ =	shalt  }
0x85: {  	_ =	shalt  }
0x86: {  	_ =	shalt  }
0x87: {  	_ =	shalt  }
.Lfunc_end0:
.L_simem_size_0:
called_computation_lowered:
.L_overlay_start_0:
0x88: {  	s2 =	sld [smem:$0x3FD9]  }
0x89: {  	s3 =	sld [smem:$0x3FFE];
	_ =	sdelay $0x1  }
0x8a: {  	s1 =	srdreg.scid  }
0x8b: {  	s0 =	sand.u32 $0x1, s1  }
0x8c: {  	s17 =	sshll.u32 s0, $0xA;
	s2 =	sadd.s32 s3, s2  }
0x8d: {  	s2 =	sadd.s32 s2, s17  }
0x8e: {  	[smem:$0x3FC0] =	sst s2  }
0x8f: {  	_ = 	snop  }
0x90: {  	s2 =	sld [smem:$0x3FD0];
	(tm) =	ssettm $0x1  }
0x91: {  	s18 =	sld [smem:$0x3FFB];
	_ =	sdelay $0x3  }
0x92: {  	_ =	strace s18  }
0x93: {  	s3 =	sld [smem:$0x3FFC];
	_ =	sdelay $0x3  }
0x94: {  	_ =	strace s3  }
0x95: {  	s3 =	sld [smem:$0x3FFD];
	_ =	sdelay $0x3  }
0x96: {  	_ =	strace s3  }
0x97: {  	_ =	strace $0x8FFFFFFF  }
0x98: {  	s19 =	sld [smem:$0x3FDB];
	_ =	sdelay $0x1  }
0x99: {  	s4 =	simm.s32 $_scs_section_size  }
0x9a: {  	s5 =	simm.s32 $_size__tile_overlayer_lowered;
	s6 =	simm.s32 $_tile_overlayer_lowered  }
0x9b: {  	s22 =	simm.s32 $0x1BFF;
	s21 =	sshll.u32 s6, $0x1;
	s3 =	sadd.s32 s4, s19  }
0x9c: {  	s7 =	simm.s32 $0x0;
	s20 =	sshll.u32 s5, $0x1;
	s5 =	sadd.s32 s21, s3  }
0x9d: {  	[timem:s7], [sflag:s22] =	dma.local [hbm:s5], s20  }
0x9e: {  	_ =	swait.ge [sflag:s22], s20  }
0x9f: {  	s4 =	ssub.s32 $0x0, s20;
	[sflag:s22] =	ssyncset.done $0x0  }
0xa0: {  	[sflag:s22] =	ssyncadd.s32 s4;
	_ =	sdelay $0x1  }
0xa1: {  	s23 =	simm.s32 $0x1B8B  }
0xa2: {  	_ =	swait.ge [sflag:s23], $0x1  }
0xa3: {  	[sflag:s23] =	ssyncset.done $0x0  }
0xa4: {  	s25 =	simm.s32 $0x1B8E;
	s24 =	sld [smem:$0x3FFE];
	[sflag:s23] =	ssyncadd.s32 $0xFFFFFFFF  }
0xa5: {  	s26 =	simm.s32 $execute0_lowered;
	[smem:$0x3FD2] =	sst s25  }
0xa6: {  	s5 =	sshll.u32 s26, $0x1;
	_ =	strace $0x80000046;
	[dreg:$0x1] =	wrdreg $0xFFFFFFFF  }
0xa7: {  	s28 =	simm.s32 $_size_execute0_lowered;
	s3 =	sadd.s32 s3, s5;
	[dreg:$0x0] =	wrdreg $0x0  }
0xa8: {  	s5 =	sshll.u32 s28, $0x1;
	[dreg:$0x2] =	wrdreg s3  }
0xa9: {  	[dreg:$0x3] =	wrdreg s5  }
0xaa: {  	[dreg:$0x4] =	wrdreg $0xC0  }
0xab: {  	_ =	task [dreg:s7], $0x5FFFF  }
0xac: {  	[dreg:$0x1] =	wrdreg $0xFFFFFFFF  }
0xad: {  	[dreg:$0x0] =	wrdreg $0x60  }
0xae: {  	[dreg:$0x2] =	wrdreg s24  }
0xaf: {  	[dreg:$0x3] =	wrdreg s2  }
0xb0: {  	[dreg:$0x4] =	wrdreg $0x90000  }
0xb1: {  	[dreg:$0x5] =	wrdreg $0x9  }
0xb2: {  	_ =	task.clear_ibuf [dreg:s7], $0x6FFFF;
	_ =	strace $0x90000046  }
0xb3: {  	s29 =	simm.s32 $0x9;
	_ =	strace $0x80000048  }
0xb4: {  	_ =	swait.ge [sflag:s29], $0x1  }
0xb5: {  	[sflag:s29] =	ssyncadd.s32 $0xFFFFFFFF  }
0xb6: {  	_ =	strace $0x90000048  }
0xb7: {  	_ =	sfence  }
0xb8: {  	s30 =	sld [smem:$0x0];
	_ =	sdelay $0x2  }
0xb9: {  	s31 =	sshll.u32 s1, $0xD;
	s1 =	sshrl.u32 s1, $0x2  }
0xba: {  	s3 =	sand.u32 $0x4000, s31;
	s1 =	sadd.s32 s1, s30  }
0xbb: {  	s0 =	sor.u32 s3, s0;
	s1 =	sshll.u32 s1, $0x11  }
0xbc: {  	s0 =	sor.u32 s1, s0  }
0xbd: {  	s0 =	sadd.s32 $0x8F2B, s0  }
0xbe: {  	[sflag:s0] =	ssyncadd.remote.s32 $0x1  }
0xbf: {  	_ =	sfence.sel $0xFFFF  }
0xc0: {  	[dreg:$0x0] =	wrdreg $0xFFFFFFFF;
	(pc) =	sbr.abs _section_cstart, $3  }
0xc1: {  	[dreg:$0x1] =	wrdreg $0xFFFFFFFF  }
0xc2: {  	_ =	task.clear_ibuf [dreg:s7], $0x2FFFF;
	_ =	strace $0x9FFFFFFF  }
0xc3: {  	(tm) =	ssettm $0x7FFFFFFF  }
tec
execute0_lowered:
.L_overlay_start_1:
0x0: {  	(tag) =	ssettag $0x1  }
0x1: {  	s6 =	rddreg [dreg:$0x0]  }
0x2: {  	s2 =	rddreg [dreg:$0x1]  }
0x3: {  	s0 =	srdreg.scid;
	s3 =	rddreg [dreg:$0x2]  }
0x4: {  	s1 =	rddreg [dreg:$0x3];
	s4 =	simm.s32 $0x0;
	s7 =	sand.u32 $0x1, s0  }
0x5: {  	s17 =	simm.s32 $0x7D;
	s0 =	stileid.u32;
	s5 =	smul.u32 $0x50000, s7  }
0x6: {  	s18 =	simm.s32 $0x1;
	[smem:$0x7FF] =	sst s4;
	s8 =	smul.u32 $0x5000, s0  }
0x7: {  	s12 =	sadd.s32 $0x16E00, s6;
	s14 =	sadd.s32 $0x12C000, s3;
	s9 =	smul.u32 $0x50000, s0  }
0x8: {  	s19 =	simm.s32 $0x0;
	_ =	strace $0x80000047;
	s11 =	smul.u32 $0x138800, s7  }
0x9: {  	s10 =	ssub.s32 $0x2, s7;
	s13 =	smul.u32 $0x14000, s0;
	p0 =	seq.s32 s0, $0xF  }
0xa: {  	s26 =	sshrl.u32 s10, $0x1;
	s15 =	sshll.u32 @!p0 s0, $0x6;
	s14 =	sshrl.u32 @p0 s14, $0x3  }
0xb: {  	s5 =	sadd.s32 s8, s5;
	s10 =	ssub.s32 s10, s26;
	s28 =	sshrl.u32 s9, $0x2  }
0xc: {  	s29 =	sadd.s32 s13, s11;
	s11 =	sshrl.u32 s11, $0x3;
	s13 =	simm.s32 $0x5000  }
0xd: {  	s15 =	sor.u32 @!p0 $0x1C02, s15;
	s5 =	sshrl.u32 s5, $0x3;
	s16 =	sadd.s32 s28, s3  }
0xe: {  	s30 =	sshrl.u32 s29, $0x3;
	s31 =	sadd.s32 s12, s11;
	s10 =	smax.u32 s10, $0x1  }
0xf: {  	s11 =	simm.s32 $0x2;
	s25 =	sadd.s32 s5, s6;
	s5 =	sadd.s32 $0x16600, s6  }
0x10: {  	s8 =	sadd.s32 s12, s30;
	s9 =	sadd.s32 $0x25800, s31;
	s12 =	simm.s32 $0x2800  }
0x11: {  	s16 =	sshrl.u32 @!p0 s16, $0x3;
	s6 =	sadd.s32 $0x2600, s25;
	s7 =	sadd.s32 $0x2B00, s25  }
.LBB2_1:
0x12: {  	[tilespmem:s4], [sflag:$0x2] =	stream.linear.gather [hbm4b:s6+s4], $0x2800, $0x38;
	[tilespmem:$0x1C880] =	vst v63  }
0x13: {  	_ =	swait.ge [sflag:s11], $0x2800  }
0x14: {  	[sflag:s11] =	ssyncset.done $0x0  }
0x15: {  	[sflag:s11] =	ssyncadd.s32 $0xFFFFD800  }
0x16: {  	[tilespmem:s12], [sflag:$0x2] =	stream.linear.gather [hbm4b:s7+s4], $0x2800, $0x38;
	[tilespmem:$0x1C880] =	vst v63  }
0x17: {  	_ =	swait.ge [sflag:s11], $0x2800  }
0x18: {  	[sflag:s11] =	ssyncset.done $0x0  }
0x19: {  	[sflag:s11] =	ssyncadd.s32 $0xFFFFD800  }
0x1a: {  	[tilespmem:s13], [sflag:$0x2] =	stream.linear.gather [hbm4b:s5+s4], $0x3E80, $0x38;
	[tilespmem:$0x1C880] =	vst v63  }
0x1b: {  	_ =	swait.ge [sflag:s11], $0x3E80  }
0x1c: {  	[sflag:s11] =	ssyncset.done $0x0  }
0x1d: {  	s20 =	simm.s32 @p0 $0x1FC2;
	[sflag:s11] =	ssyncadd.s32 $0xFFFFC180  }
0x1e: {  	[spmem:s14], [sflag:s20] =	dma.local @p0 [hbm:s2], $0x1900  }
0x1f: {  	s20 =	simm.s32 @p0 $0x2  }
0x20: {  	_ =	swait.ge @p0 [sflag:s20], $0x1900  }
0x21: {  	[sflag:s20] =	ssyncset.done @p0 $0x0  }
0x22: {  	[sflag:s20] =	ssyncadd.s32 @p0 $0xFFFFE700;
	s20 =	simm.s32 @!p0 $0x2  }
0x23: {  	[spmem:s16], [sflag:s15] =	dma.local @!p0 [hbm:s2], $0x2800  }
0x24: {  	_ =	swait.ge @!p0 [sflag:s20], $0x2800  }
0x25: {  	[sflag:s20] =	ssyncset.done @!p0 $0x0  }
0x26: {  	[sflag:s20] =	ssyncadd.s32 @!p0 $0xFFFFD800  }
0x27: {  	s20 =	simm.s32 $0x0;
	[bflag:$0x0] =	sbarrier.arrive $0xFFFF  }
.LBB2_2:
0x28: {  	p1 =	sne.s32 s20, $0x13E00  }
.Ltmp0:
0x29: {  	_ = 	snop;
	(pc) =	sbr.rel @p1 .LBB2_2-.Ltmp0, $3  }
0x2a: {  	_ =	sdelay $0x1  }
0x2b: {  	s21 =	sshra.s32 s20, $0x2;
	s20 =	sadd.s32 $0x200, s20  }
0x2c: {  	[spmem:s3] =	stream.indirect.scatter.add.f32 [tilespmem:s13], [sflag:$0x1], $0x80, s21, s17, $0xb8;
	[tilespmem:$0x1C880] =	vst v63  }
0x2d: {  	_ =	swait.ge [sflag:s18], $0x3E80  }
0x2e: {  	s20 =	simm.s32 $0x9F;
	[sflag:s18] =	ssyncset.done $0x0  }
.LBB2_4:
0x2f: {  	p1 =	sne.s32 s20, $0x1;
	s20 =	sadd.s32 $0xFFFFFFFF, s20;
	[sflag:s18] =	ssyncadd.s32 $0xFFFFC180  }
.Ltmp1:
0x30: {  	(pc) =	sbr.rel @p1 .LBB2_4-.Ltmp1, $3  }
0x31: {  	_ =	sdelay $0x1  }
0x32: {  	_ =	swait.ge [sflag:s18], $0x3E80  }
0x33: {  	[sflag:s18] =	ssyncset.done $0x0  }
0x34: {  	[sflag:s18] =	ssyncadd.s32 $0xFFFFC180  }
0x35: {  	s20 =	simm.s32 @p0 $0x1FC2;
	[bflag:$0x0] =	sbarrier.arrive $0xFFFF  }
0x36: {  	[hbm:s9], [sflag:s20] =	dma.local @p0 [spmem:s14], $0x1900  }
0x37: {  	s20 =	simm.s32 @p0 $0x2  }
0x38: {  	s19 =	sadd.s32 $0x1, s19;
	_ =	swait.ge @p0 [sflag:s20], $0x1900  }
0x39: {  	p1 =	sne.s32 s19, s10;
	[sflag:s20] =	ssyncset.done @p0 $0x0  }
.Ltmp2:
0x3a: {  	[sflag:s20] =	ssyncadd.s32 @p0 $0xFFFFE700;
	s20 =	simm.s32 @!p0 $0x2;
	(pc) =	sbr.rel @p1 .LBB2_1-.Ltmp2, $4  }
0x3b: {  	[hbm:s8], [sflag:s15] =	dma.local @!p0 [spmem:s16], $0x2800  }
0x3c: {  	_ =	swait.ge @!p0 [sflag:s20], $0x2800  }
0x3d: {  	[sflag:s20] =	ssyncset.done @!p0 $0x0  }
0x3e: {  	[sflag:s20] =	ssyncadd.s32 @!p0 $0xFFFFD800  }
0x3f: {  	_ =	sfence.sel $0x180000  }
0x40: {  	[bflag:$0x0] =	sbarrier.arrive $0xFFFF  }
0x41: {  	p0 =	sne.s32 s0, $0x0;
	_ =	strace $0x90000047  }
0x42: {  	s0 =	sadd.s32 @!p0 $0x100000, s1;
	[bflag:$0x2] =	sbarrier.arrive $0xFFFF  }
0x43: {  	[sflag:s0] =	ssyncadd.tile.s32 @!p0 $0x1;
	_ =	shalt  }
.Lfunc_end2:
_tile_overlayer_lowered:
.L_overlay_start_2:
0x44: {  	(tag) =	ssettag $0x2  }
0x45: {  	s0 =	rddreg [dreg:$0x0];
	s2 =	stileid.u32  }
0x46: {  	s1 =	rddreg [dreg:$0x1];
	p0 =	sne.s32 s2, $0x0  }
0x47: {  	s3 =	rddreg [dreg:$0x2];
	[bflag:$0x3] =	sbarrier.arrive $0xFFFF;
	s2 =	simm.s32 @!p0 $0x1C02  }
0x48: {  	[timem:s3], [sflag:s2] =	dma.local @!p0 [hbm:s0], s1  }
0x49: {  	s0 =	simm.s32 @!p0 $0x2  }
0x4a: {  	_ =	swait.ge @!p0 [sflag:s0], s1  }
0x4b: {  	s1 =	ssub.s32 @!p0 $0x0, s1;
	[sflag:s0] =	ssyncset.done @!p0 $0x0  }
0x4c: {  	[sflag:s0] =	ssyncadd.s32 @!p0 s1  }
0x4d: {  	[bflag:$0x3] =	sbarrier.arrive $0xFFFF  }
0x4e: {  	_ =	shalt  }

</sc_bundles>
